<compile_context>
chip_gen: v7x
topology: tpu7x:2x2x1
jax: 0.10.2.dev20260603
libtpu: 0.0.44.dev20260713+nightly
codegen_flags: <defaults>
</compile_context>

<pallas_src>
import functools

import jax
import jax.numpy as jnp
from jax import lax
from jax.experimental import pallas as pl
from jax.experimental.pallas import tpu as pltpu
from jax.experimental.pallas import tpu_sc as plsc

_LANES = 16
_NSUB = 16
_NCORE = 2
_RPT = 128


def _softplus_terms(xv):
    u = jnp.exp(-jnp.abs(xv))
    s = u / (2.0 + u)
    s2 = s * s
    f = 2.0 * s * (1.0 + s2 * (1.0 / 3.0 + s2 * (0.2 + s2 * (1.0 / 7.0
                                                             + s2 * (1.0 / 9.0)))))
    sp = jnp.maximum(xv, 0.0) + f
    return -jnp.minimum(sp, 100.0)


def _sc_body(nt, ncell, xflat_hbm, tgt_hbm, out_hbm,
             tgt_v, idx_v, gidx_v, rid_v, h_v, xg_v, s_v, slab_v, g_sh, sem):
    core = lax.axis_index("c")
    sub = lax.axis_index("s")
    wid = sub * _NCORE + core
    sentinel = ncell
    chunk = ncell // (_NSUB * _NCORE)
    zeros16 = jnp.zeros((_LANES,), jnp.float32)

    slab_dma = pltpu.async_copy(xflat_hbm.at[pl.ds(wid * chunk, chunk)],
                                slab_v, sem)
    s_v[...] = zeros16

    @pl.when(core == 0)
    def _():
        pltpu.sync_copy(tgt_hbm.at[pl.ds(sub * (_RPT * 6), _RPT * 6)], tgt_v)
        lane = lax.iota(jnp.int32, _LANES)

        def prep(g, carry):
            base = (lane + g * _LANES) * 6
            bf = plsc.load_gather(tgt_v, [base])
            xf = plsc.load_gather(tgt_v, [base + 1])
            yf = plsc.load_gather(tgt_v, [base + 2])
            rows = lane + g * _LANES + sub * _RPT
            b = bf.astype(jnp.int32)
            gx = (xf * jnp.float32(160)).astype(jnp.int32)
            gy = (yf * jnp.float32(160)).astype(jnp.int32)
            valid = ((b >= 0) & (b < 16) & (gx >= 0) & (gx < 160)
                     & (gy >= 0) & (gy < 160) & (rows < nt))
            cell = b * 25600 + gy * 160 + gx
            sl = pl.ds(g * _LANES, _LANES)
            idx_v[sl] = jnp.where(valid, cell, sentinel)
            gidx_v[sl] = jnp.where(valid, cell, 0)
            rid_v[sl] = rows
            return carry

        lax.fori_loop(0, _RPT // _LANES, prep, 0)

        pltpu.sync_copy(rid_v, g_sh.at[idx_v])
        pltpu.sync_copy(xflat_hbm.at[gidx_v], xg_v)
        plsc.subcore_barrier()
        pltpu.sync_copy(g_sh.at[idx_v], h_v)

        def pick(g, a):
            sl = pl.ds(g * _LANES, _LANES)
            win = (h_v[sl] == rid_v[sl]) & (idx_v[sl] != sentinel)
            return a + jnp.where(win, xg_v[sl], 0.0)

        s_v[...] = lax.fori_loop(0, _RPT // _LANES, pick, zeros16)

    slab_dma.wait()

    def dense(i, a):
        for j in range(8):
            xv = slab_v[pl.ds((i * 8 + j) * _LANES, _LANES)]
            a = a + _softplus_terms(xv)
        return a

    acc = lax.fori_loop(0, chunk // (_LANES * 8), dense, zeros16)
    s_v[...] = acc + s_v[...]
    pltpu.sync_copy(s_v, out_hbm.at[pl.ds(wid * _LANES, _LANES)])


def _sc_loss_partials(xflat, targets, ncell):
    nt = targets.shape[0]
    ntp = _NSUB * _RPT
    tflat = jnp.pad(targets.reshape(-1), [(0, (ntp - nt) * targets.shape[1])])
    mesh = plsc.VectorSubcoreMesh(core_axis_name="c", subcore_axis_name="s",
                                  num_cores=_NCORE)
    body = functools.partial(_sc_body, nt, ncell)
    return pl.kernel(
        body,
        out_type=jax.ShapeDtypeStruct((_NSUB * _NCORE * _LANES,), jnp.float32),
        mesh=mesh,
        compiler_params=pltpu.CompilerParams(needs_layout_passes=False),
        scratch_types=[
            pltpu.VMEM((_RPT * 6,), jnp.float32),
            pltpu.VMEM((_RPT,), jnp.int32),
            pltpu.VMEM((_RPT,), jnp.int32),
            pltpu.VMEM((_RPT,), jnp.int32),
            pltpu.VMEM((_RPT,), jnp.int32),
            pltpu.VMEM((_RPT,), jnp.float32),
            pltpu.VMEM((_LANES,), jnp.float32),
            pltpu.VMEM((ncell // (_NSUB * _NCORE),), jnp.float32),
            pltpu.VMEM_SHARED((ncell + 8,), jnp.int32),
            pltpu.SemaphoreType.DMA,
        ],
    )(xflat, tflat)


def kernel(predictions, targets):
    bs, _, h, w = predictions.shape
    ncell = bs * h * w
    xflat = predictions[:, 4].reshape(-1)
    partials = _sc_loss_partials(xflat, targets, ncell)
    return -jnp.sum(partials) / ncell

# --- scband reference (transcript-rebuilt; emitter-appended) ---
"""Pipeline reference for scband-yololoss-35845797053068 (READ-ONLY COPY).

The authoritative reference and input builder live on the scoring server;
editing this copy changes nothing except your own understanding.
"""

import jax, jax.numpy as jnp
import numpy as np


def setup_inputs(seed: int = 0):
    key = jax.random.key(seed)
    k1, k2 = jax.random.split(key)
    predictions = jax.random.normal(k1, (16, 33, 160, 160), dtype=jnp.float32)
    targets = jax.random.uniform(k2, (2000, 6), dtype=jnp.float32)
    return {"predictions": predictions, "targets": targets}


def _bce_mean(p, t):
    # torch F.binary_cross_entropy clamps log terms at -100
    logp = jnp.clip(jnp.log(p), -100.0, None)
    log1mp = jnp.clip(jnp.log(1.0 - p), -100.0, None)
    return -jnp.mean(t * logp + (1.0 - t) * log1mp)


def reference(predictions, targets):
    pred = predictions
    bs, _, h, w = pred.shape
    obj_pred = jax.nn.sigmoid(pred[:, 4:5, :, :])
    # build objectness target grid via scatter-set (vectorized form of the python loop)
    b = targets[:, 0].astype(jnp.int32)
    gx = (targets[:, 1] * w).astype(jnp.int32)
    gy = (targets[:, 2] * h).astype(jnp.int32)
    valid = (b < bs) & (gx >= 0) & (gx < w) & (gy >= 0) & (gy < h)
    b_safe = jnp.where(valid, b, bs)  # invalid rows pushed out-of-bounds and dropped
    obj_target = jnp.zeros_like(obj_pred)
    obj_target = obj_target.at[b_safe, 0, gy, gx].set(1.0, mode='drop')
    loss_obj = _bce_mean(obj_pred, obj_target)
    loss_box = jnp.array(0.0, dtype=pred.dtype)
    loss_cls = jnp.array(0.0, dtype=pred.dtype)
    loss = loss_box * 0.05 + loss_obj * 1.0 + loss_cls * 0.5
    return loss

if __name__ == "__main__":
    import jax
    _d = setup_inputs()
    print(jax.jit(kernel)(*tuple(_d.values())))

</pallas_src>

<mosaic_0001>
#map = affine_map<(d0, d1) -> (0)>
module attributes {stable_mosaic.version = 14 : i64} {
  func.func @_sc_body(%arg0: i32, %arg1: i32, %arg2: memref<409600xf32, #tpu.memory_space<hbm>>, %arg3: memref<12288xf32, #tpu.memory_space<hbm>>, %arg4: memref<512xf32, #tpu.memory_space<hbm>>, %arg5: memref<768xf32, #tpu.memory_space<vmem>>, %arg6: memref<128xi32, #tpu.memory_space<vmem>>, %arg7: memref<128xi32, #tpu.memory_space<vmem>>, %arg8: memref<128xi32, #tpu.memory_space<vmem>>, %arg9: memref<128xi32, #tpu.memory_space<vmem>>, %arg10: memref<128xf32, #tpu.memory_space<vmem>>, %arg11: memref<16xf32, #tpu.memory_space<vmem>>, %arg12: memref<12800xf32, #tpu.memory_space<vmem>>, %arg13: memref<409608xi32, #tpu.memory_space<vmem_shared>>, %arg14: memref<!tpu.dma_semaphore, #tpu.memory_space<semaphore_mem>>) attributes {dimension_semantics = [#tpu.dimension_semantics<core_parallel>, #tpu.dimension_semantics<subcore_parallel>], iteration_bounds = array<i64: 2, 16>, scalar_prefetch = 0 : i64, scratch_operands = 10 : i64, tpu.core_type = #tpu.core_type<sc_vector_subcore>, window_params = [{transform_indices = #map}, {transform_indices = #map}, {transform_indices = #map}]} {
    %mul3A = arith.constant 2 : i32
    %mul3A_0 = arith.muli %arg1, %mul3A : i32
    %add3A = arith.addi %mul3A_0, %arg0 : i32
    %broadcast_in_dim3A = arith.constant 0.000000e+00 : f32
    %broadcast_in_dim3A_1 = vector.broadcast %broadcast_in_dim3A : f32 to vector<16xf32>
    %mul3A_2 = arith.constant 12800 : i32
    %mul3A_3 = arith.muli %add3A, %mul3A_2 : i32
    %dma_start3A = tpu.memref_slice %arg2[%mul3A_3] : memref<409600xf32, #tpu.memory_space<hbm>> -> memref<12800xf32, #tpu.memory_space<hbm>>
    %dma_start3A_4 = tpu.memref_slice %arg2[%mul3A_3] : memref<409600xf32, #tpu.memory_space<hbm>> -> memref<12800xf32, #tpu.memory_space<hbm>>
    tpu.enqueue_dma source(%dma_start3A_4 : memref<12800xf32, #tpu.memory_space<hbm>>) target(%arg12 : memref<12800xf32, #tpu.memory_space<vmem>>) target_semaphore(%arg14 : memref<!tpu.dma_semaphore, #tpu.memory_space<semaphore_mem>>)
    %swap3A = arith.constant 0 : index
    %swap3A_5 = tpu.vector_load %arg11[%swap3A] {strides = array<i32>} : memref<16xf32, #tpu.memory_space<vmem>>, vector<16xf32>,
    tpu.vector_store %arg11[%swap3A], %broadcast_in_dim3A_1 {strides = array<i32>} : memref<16xf32, #tpu.memory_space<vmem>>, vector<16xf32>,
    %eq3A = arith.constant 0 : i32
    %eq3A_6 = arith.cmpi eq, %arg0, %eq3A : i32
    %convert_element_type3A = arith.extui %eq3A_6 : i1 to i32
    %cond3A = arith.constant 0 : i32
    %cond3A_7 = arith.cmpi ne, %convert_element_type3A, %cond3A : i32
    scf.if %cond3A_7 {
      %mul3A_20 = arith.constant 768 : i32
      %mul3A_21 = arith.muli %arg1, %mul3A_20 : i32
      "tpu.region"() ({
        %run_scoped3A = tpu.sem_alloc : memref<!tpu.dma_semaphore, #tpu.memory_space<semaphore_mem>>
        %dma_start3A_36 = tpu.memref_slice %arg3[%mul3A_21] : memref<12288xf32, #tpu.memory_space<hbm>> -> memref<768xf32, #tpu.memory_space<hbm>>
        %dma_start3A_37 = tpu.memref_slice %arg3[%mul3A_21] : memref<12288xf32, #tpu.memory_space<hbm>> -> memref<768xf32, #tpu.memory_space<hbm>>
        tpu.enqueue_dma source(%dma_start3A_37 : memref<768xf32, #tpu.memory_space<hbm>>) target(%arg5 : memref<768xf32, #tpu.memory_space<vmem>>) target_semaphore(%run_scoped3A : memref<!tpu.dma_semaphore, #tpu.memory_space<semaphore_mem>>)
        %dma_wait3A_38 = tpu.memref_slice %arg3[%mul3A_21] : memref<12288xf32, #tpu.memory_space<hbm>> -> memref<768xf32, #tpu.memory_space<hbm>>
        %dma_wait3A_39 = tpu.memref_slice %arg3[%mul3A_21] : memref<12288xf32, #tpu.memory_space<hbm>> -> memref<768xf32, #tpu.memory_space<hbm>>
        tpu.wait_dma2 semaphore(%run_scoped3A : memref<!tpu.dma_semaphore, #tpu.memory_space<semaphore_mem>>) src(%dma_wait3A_39 : memref<768xf32, #tpu.memory_space<hbm>>) dst(%arg5 : memref<768xf32, #tpu.memory_space<vmem>>)
        tpu.yield
      }) : () -> ()
      %iota3A = tpu.iota {dimensions = array<i32: 0>} : vector<16xi32>
      %scan3A_22 = arith.constant 0 : i32
      %scan3A_23 = arith.constant 0 : i32
      %scan3A_24 = arith.constant 8 : i32
      %scan3A_25 = arith.addi %scan3A_23, %scan3A_24 : i32
      %scan3A_26 = arith.constant 1 : i32
      scf.for %scan3A_36 = %scan3A_23 to %scan3A_25 step %scan3A_26  : i32 {
        %mul3A_37 = arith.constant 16 : i32
        %mul3A_38 = arith.muli %scan3A_36, %mul3A_37 : i32
        %add3A_39 = vector.broadcast %mul3A_38 : i32 to vector<16xi32>
        %add3A_40 = arith.addi %iota3A, %add3A_39 : vector<16xi32>
        %mul3A_41 = arith.constant 6 : i32
        %mul3A_42 = vector.broadcast %mul3A_41 : i32 to vector<16xi32>
        %mul3A_43 = arith.muli %add3A_40, %mul3A_42 : vector<16xi32>
        %gather3A = tpu.vector_load_idx %arg5[%mul3A_43] : memref<768xf32, #tpu.memory_space<vmem>>[vector<16xi32>], vector<16xf32>,
        %add3A_44 = arith.constant 1 : i32
        %add3A_45 = vector.broadcast %add3A_44 : i32 to vector<16xi32>
        %add3A_46 = arith.addi %mul3A_43, %add3A_45 : vector<16xi32>
        %gather3A_47 = tpu.vector_load_idx %arg5[%add3A_46] : memref<768xf32, #tpu.memory_space<vmem>>[vector<16xi32>], vector<16xf32>,
        %add3A_48 = arith.constant 2 : i32
        %add3A_49 = vector.broadcast %add3A_48 : i32 to vector<16xi32>
        %add3A_50 = arith.addi %mul3A_43, %add3A_49 : vector<16xi32>
        %gather3A_51 = tpu.vector_load_idx %arg5[%add3A_50] : memref<768xf32, #tpu.memory_space<vmem>>[vector<16xi32>], vector<16xf32>,
        %mul3A_52 = arith.constant 16 : i32
        %mul3A_53 = arith.muli %scan3A_36, %mul3A_52 : i32
        %add3A_54 = vector.broadcast %mul3A_53 : i32 to vector<16xi32>
        %add3A_55 = arith.addi %iota3A, %add3A_54 : vector<16xi32>
        %mul3A_56 = arith.constant 128 : i32
        %mul3A_57 = arith.muli %arg1, %mul3A_56 : i32
        %add3A_58 = vector.broadcast %mul3A_57 : i32 to vector<16xi32>
        %add3A_59 = arith.addi %add3A_55, %add3A_58 : vector<16xi32>
        %convert_element_type3A_60 = arith.fptosi %gather3A : vector<16xf32> to vector<16xi32>
        %mul3A_61 = arith.constant 1.600000e+02 : f32
        %mul3A_62 = vector.broadcast %mul3A_61 : f32 to vector<16xf32>
        %mul3A_63 = arith.mulf %gather3A_47, %mul3A_62 : vector<16xf32>
        %convert_element_type3A_64 = arith.fptosi %mul3A_63 : vector<16xf32> to vector<16xi32>
        %mul3A_65 = arith.constant 1.600000e+02 : f32
        %mul3A_66 = vector.broadcast %mul3A_65 : f32 to vector<16xf32>
        %mul3A_67 = arith.mulf %gather3A_51, %mul3A_66 : vector<16xf32>
        %convert_element_type3A_68 = arith.fptosi %mul3A_67 : vector<16xf32> to vector<16xi32>
        %ge3A = arith.constant 0 : i32
        %ge3A_69 = vector.broadcast %ge3A : i32 to vector<16xi32>
        %ge3A_70 = arith.cmpi sge, %convert_element_type3A_60, %ge3A_69 : vector<16xi32>
        %lt3A = arith.constant 16 : i32
        %lt3A_71 = vector.broadcast %lt3A : i32 to vector<16xi32>
        %lt3A_72 = arith.cmpi slt, %convert_element_type3A_60, %lt3A_71 : vector<16xi32>
        %and3A = arith.andi %ge3A_70, %lt3A_72 : vector<16xi1>
        %ge3A_73 = arith.constant 0 : i32
        %ge3A_74 = vector.broadcast %ge3A_73 : i32 to vector<16xi32>
        %ge3A_75 = arith.cmpi sge, %convert_element_type3A_64, %ge3A_74 : vector<16xi32>
        %and3A_76 = arith.andi %and3A, %ge3A_75 : vector<16xi1>
        %lt3A_77 = arith.constant 160 : i32
        %lt3A_78 = vector.broadcast %lt3A_77 : i32 to vector<16xi32>
        %lt3A_79 = arith.cmpi slt, %convert_element_type3A_64, %lt3A_78 : vector<16xi32>
        %and3A_80 = arith.andi %and3A_76, %lt3A_79 : vector<16xi1>
        %ge3A_81 = arith.constant 0 : i32
        %ge3A_82 = vector.broadcast %ge3A_81 : i32 to vector<16xi32>
        %ge3A_83 = arith.cmpi sge, %convert_element_type3A_68, %ge3A_82 : vector<16xi32>
        %and3A_84 = arith.andi %and3A_80, %ge3A_83 : vector<16xi1>
        %lt3A_85 = arith.constant 160 : i32
        %lt3A_86 = vector.broadcast %lt3A_85 : i32 to vector<16xi32>
        %lt3A_87 = arith.cmpi slt, %convert_element_type3A_68, %lt3A_86 : vector<16xi32>
        %and3A_88 = arith.andi %and3A_84, %lt3A_87 : vector<16xi1>
        %lt3A_89 = arith.constant 2000 : i32
        %lt3A_90 = vector.broadcast %lt3A_89 : i32 to vector<16xi32>
        %lt3A_91 = arith.cmpi slt, %add3A_59, %lt3A_90 : vector<16xi32>
        %and3A_92 = arith.andi %and3A_88, %lt3A_91 : vector<16xi1>
        %mul3A_93 = arith.constant 25600 : i32
        %mul3A_94 = vector.broadcast %mul3A_93 : i32 to vector<16xi32>
        %mul3A_95 = arith.muli %convert_element_type3A_60, %mul3A_94 : vector<16xi32>
        %mul3A_96 = arith.constant 160 : i32
        %mul3A_97 = vector.broadcast %mul3A_96 : i32 to vector<16xi32>
        %mul3A_98 = arith.muli %convert_element_type3A_68, %mul3A_97 : vector<16xi32>
        %add3A_99 = arith.addi %mul3A_95, %mul3A_98 : vector<16xi32>
        %add3A_100 = arith.addi %add3A_99, %convert_element_type3A_64 : vector<16xi32>
        %mul3A_101 = arith.constant 16 : i32
        %mul3A_102 = arith.muli %scan3A_36, %mul3A_101 : i32
        %jit3A = arith.constant 409600 : i32
        %broadcast_in_dim3A_103 = vector.broadcast %jit3A : i32 to vector<16xi32>
        %select_n3A = arith.select %and3A_92, %add3A_100, %broadcast_in_dim3A_103 : vector<16xi1>, vector<16xi32>
        %swap3A_104 = arith.index_cast %mul3A_102 : i32 to index
        %swap3A_105 = tpu.vector_load %arg6[%swap3A_104] {strides = array<i32>} : memref<128xi32, #tpu.memory_space<vmem>>, vector<16xi32>,
        tpu.vector_store %arg6[%swap3A_104], %select_n3A {strides = array<i32>} : memref<128xi32, #tpu.memory_space<vmem>>, vector<16xi32>,
        %jit3A_106 = arith.constant 0 : i32
        %broadcast_in_dim3A_107 = vector.broadcast %jit3A_106 : i32 to vector<16xi32>
        %select_n3A_108 = arith.select %and3A_92, %add3A_100, %broadcast_in_dim3A_107 : vector<16xi1>, vector<16xi32>
        %swap3A_109 = arith.index_cast %mul3A_102 : i32 to index
        %swap3A_110 = tpu.vector_load %arg7[%swap3A_109] {strides = array<i32>} : memref<128xi32, #tpu.memory_space<vmem>>, vector<16xi32>,
        tpu.vector_store %arg7[%swap3A_109], %select_n3A_108 {strides = array<i32>} : memref<128xi32, #tpu.memory_space<vmem>>, vector<16xi32>,
        %swap3A_111 = arith.index_cast %mul3A_102 : i32 to index
        %swap3A_112 = tpu.vector_load %arg8[%swap3A_111] {strides = array<i32>} : memref<128xi32, #tpu.memory_space<vmem>>, vector<16xi32>,
        tpu.vector_store %arg8[%swap3A_111], %add3A_59 {strides = array<i32>} : memref<128xi32, #tpu.memory_space<vmem>>, vector<16xi32>,
      }
      %scan3A_27 = arith.constant 8 : i32
      "tpu.region"() ({
        %run_scoped3A = tpu.sem_alloc : memref<!tpu.dma_semaphore, #tpu.memory_space<semaphore_mem>>
        %dma_start3A_36 = arith.constant 0 : i32
        %dma_start3A_37 = tpu.memref_slice %arg13[%dma_start3A_36] : memref<409608xi32, #tpu.memory_space<vmem_shared>> -> memref<409608xi32, #tpu.memory_space<vmem_shared>>
        tpu.enqueue_indirect_dma source(%arg8 : memref<128xi32, #tpu.memory_space<vmem>>) target(%dma_start3A_37 : memref<409608xi32, #tpu.memory_space<vmem_shared>>) offsets(%arg6 : memref<128xi32, #tpu.memory_space<vmem>>) semaphore(%run_scoped3A : memref<!tpu.dma_semaphore, #tpu.memory_space<semaphore_mem>>)
        %dma_wait3A_38 = arith.constant 0 : i32
        %dma_wait3A_39 = tpu.memref_slice %arg13[%dma_wait3A_38] : memref<409608xi32, #tpu.memory_space<vmem_shared>> -> memref<409608xi32, #tpu.memory_space<vmem_shared>>
        tpu.wait_indirect_dma semaphore(%run_scoped3A : memref<!tpu.dma_semaphore, #tpu.memory_space<semaphore_mem>>) src(%arg8 : memref<128xi32, #tpu.memory_space<vmem>>) dst(%dma_wait3A_39 : memref<409608xi32, #tpu.memory_space<vmem_shared>>)
        tpu.yield
      }) : () -> ()
      "tpu.region"() ({
        %run_scoped3A = tpu.sem_alloc : memref<!tpu.dma_semaphore, #tpu.memory_space<semaphore_mem>>
        %dma_start3A_36 = arith.constant 0 : i32
        %dma_start3A_37 = tpu.memref_slice %arg2[%dma_start3A_36] : memref<409600xf32, #tpu.memory_space<hbm>> -> memref<409600xf32, #tpu.memory_space<hbm>>
        tpu.enqueue_indirect_dma source(%dma_start3A_37 : memref<409600xf32, #tpu.memory_space<hbm>>) target(%arg10 : memref<128xf32, #tpu.memory_space<vmem>>) offsets(%arg7 : memref<128xi32, #tpu.memory_space<vmem>>) semaphore(%run_scoped3A : memref<!tpu.dma_semaphore, #tpu.memory_space<semaphore_mem>>)
        %dma_wait3A_38 = arith.constant 0 : i32
        %dma_wait3A_39 = tpu.memref_slice %arg2[%dma_wait3A_38] : memref<409600xf32, #tpu.memory_space<hbm>> -> memref<409600xf32, #tpu.memory_space<hbm>>
        tpu.wait_indirect_dma semaphore(%run_scoped3A : memref<!tpu.dma_semaphore, #tpu.memory_space<semaphore_mem>>) src(%dma_wait3A_39 : memref<409600xf32, #tpu.memory_space<hbm>>) dst(%arg10 : memref<128xf32, #tpu.memory_space<vmem>>)
        tpu.yield
      }) : () -> ()
      %barrier3A = arith.constant 0 : index
      tpu.barrier barrier_id(%barrier3A)
      "tpu.region"() ({
        %run_scoped3A = tpu.sem_alloc : memref<!tpu.dma_semaphore, #tpu.memory_space<semaphore_mem>>
        %dma_start3A_36 = arith.constant 0 : i32
        %dma_start3A_37 = tpu.memref_slice %arg13[%dma_start3A_36] : memref<409608xi32, #tpu.memory_space<vmem_shared>> -> memref<409608xi32, #tpu.memory_space<vmem_shared>>
        tpu.enqueue_indirect_dma source(%dma_start3A_37 : memref<409608xi32, #tpu.memory_space<vmem_shared>>) target(%arg9 : memref<128xi32, #tpu.memory_space<vmem>>) offsets(%arg6 : memref<128xi32, #tpu.memory_space<vmem>>) semaphore(%run_scoped3A : memref<!tpu.dma_semaphore, #tpu.memory_space<semaphore_mem>>)
        %dma_wait3A_38 = arith.constant 0 : i32
        %dma_wait3A_39 = tpu.memref_slice %arg13[%dma_wait3A_38] : memref<409608xi32, #tpu.memory_space<vmem_shared>> -> memref<409608xi32, #tpu.memory_space<vmem_shared>>
        tpu.wait_indirect_dma semaphore(%run_scoped3A : memref<!tpu.dma_semaphore, #tpu.memory_space<semaphore_mem>>) src(%dma_wait3A_39 : memref<409608xi32, #tpu.memory_space<vmem_shared>>) dst(%arg9 : memref<128xi32, #tpu.memory_space<vmem>>)
        tpu.yield
      }) : () -> ()
      %scan3A_28 = arith.constant 0 : i32
      %scan3A_29 = arith.constant 8 : i32
      %scan3A_30 = arith.addi %scan3A_28, %scan3A_29 : i32
      %scan3A_31 = arith.constant 1 : i32
      %scan3A_32 = scf.for %scan3A_36 = %scan3A_28 to %scan3A_30 step %scan3A_31 iter_args(%scan3A_37 = %broadcast_in_dim3A_1) -> (vector<16xf32>)  : i32 {
        %mul3A_38 = arith.constant 16 : i32
        %mul3A_39 = arith.muli %scan3A_36, %mul3A_38 : i32
        %get3A_40 = arith.index_cast %mul3A_39 : i32 to index
        %get3A_41 = tpu.vector_load %arg9[%get3A_40] {strides = array<i32>} : memref<128xi32, #tpu.memory_space<vmem>>, vector<16xi32>,
        %get3A_42 = arith.index_cast %mul3A_39 : i32 to index
        %get3A_43 = tpu.vector_load %arg8[%get3A_42] {strides = array<i32>} : memref<128xi32, #tpu.memory_space<vmem>>, vector<16xi32>,
        %eq3A_44 = arith.cmpi eq, %get3A_41, %get3A_43 : vector<16xi32>
        %get3A_45 = arith.index_cast %mul3A_39 : i32 to index
        %get3A_46 = tpu.vector_load %arg6[%get3A_45] {strides = array<i32>} : memref<128xi32, #tpu.memory_space<vmem>>, vector<16xi32>,
        %ne3A = arith.constant 409600 : i32
        %ne3A_47 = vector.broadcast %ne3A : i32 to vector<16xi32>
        %ne3A_48 = arith.cmpi ne, %get3A_46, %ne3A_47 : vector<16xi32>
        %and3A = arith.andi %eq3A_44, %ne3A_48 : vector<16xi1>
        %get3A_49 = arith.index_cast %mul3A_39 : i32 to index
        %get3A_50 = tpu.vector_load %arg10[%get3A_49] {strides = array<i32>} : memref<128xf32, #tpu.memory_space<vmem>>, vector<16xf32>,
        %jit3A = arith.constant 0.000000e+00 : f32
        %broadcast_in_dim3A_51 = vector.broadcast %jit3A : f32 to vector<16xf32>
        %select_n3A = arith.select %and3A, %get3A_50, %broadcast_in_dim3A_51 : vector<16xi1>, vector<16xf32>
        %add3A_52 = arith.addf %scan3A_37, %select_n3A : vector<16xf32>
        scf.yield %add3A_52 : vector<16xf32>
      }
      %scan3A_33 = arith.constant 8 : i32
      %swap3A_34 = arith.constant 0 : index
      %swap3A_35 = tpu.vector_load %arg11[%swap3A_34] {strides = array<i32>} : memref<16xf32, #tpu.memory_space<vmem>>, vector<16xf32>,
      tpu.vector_store %arg11[%swap3A_34], %scan3A_32 {strides = array<i32>} : memref<16xf32, #tpu.memory_space<vmem>>, vector<16xf32>,
    } else {
    }
    %dma_wait3A = tpu.memref_slice %arg2[%mul3A_3] : memref<409600xf32, #tpu.memory_space<hbm>> -> memref<12800xf32, #tpu.memory_space<hbm>>
    %dma_wait3A_8 = tpu.memref_slice %arg2[%mul3A_3] : memref<409600xf32, #tpu.memory_space<hbm>> -> memref<12800xf32, #tpu.memory_space<hbm>>
    tpu.wait_dma2 semaphore(%arg14 : memref<!tpu.dma_semaphore, #tpu.memory_space<semaphore_mem>>) src(%dma_wait3A_8 : memref<12800xf32, #tpu.memory_space<hbm>>) dst(%arg12 : memref<12800xf32, #tpu.memory_space<vmem>>)
    %scan3A = arith.constant 0 : i32
    %scan3A_9 = arith.constant 100 : i32
    %scan3A_10 = arith.addi %scan3A, %scan3A_9 : i32
    %scan3A_11 = arith.constant 1 : i32
    %scan3A_12 = scf.for %scan3A_20 = %scan3A to %scan3A_10 step %scan3A_11 iter_args(%scan3A_21 = %broadcast_in_dim3A_1) -> (vector<16xf32>)  : i32 {
      %mul3A_22 = arith.constant 8 : i32
      %mul3A_23 = arith.muli %scan3A_20, %mul3A_22 : i32
      %add3A_24 = arith.constant 0 : i32
      %add3A_25 = arith.addi %mul3A_23, %add3A_24 : i32
      %mul3A_26 = arith.constant 16 : i32
      %mul3A_27 = arith.muli %add3A_25, %mul3A_26 : i32
      %get3A_28 = arith.index_cast %mul3A_27 : i32 to index
      %get3A_29 = tpu.vector_load %arg12[%get3A_28] {strides = array<i32>} : memref<12800xf32, #tpu.memory_space<vmem>>, vector<16xf32>,
      %abs3A = math.absf %get3A_29 : vector<16xf32>
      %neg3A = arith.constant 0.000000e+00 : f32
      %neg3A_30 = vector.broadcast %neg3A : f32 to vector<16xf32>
      %neg3A_31 = arith.subf %neg3A_30, %abs3A : vector<16xf32>
      %exp3A = math.exp %neg3A_31 : vector<16xf32>
      %add3A_32 = arith.constant 2.000000e+00 : f32
      %add3A_33 = vector.broadcast %add3A_32 : f32 to vector<16xf32>
      %add3A_34 = arith.addf %add3A_33, %exp3A : vector<16xf32>
      %div3A = arith.divf %exp3A, %add3A_34 : vector<16xf32>
      %mul3A_35 = arith.mulf %div3A, %div3A : vector<16xf32>
      %mul3A_36 = arith.constant 2.000000e+00 : f32
      %mul3A_37 = vector.broadcast %mul3A_36 : f32 to vector<16xf32>
      %mul3A_38 = arith.mulf %mul3A_37, %div3A : vector<16xf32>
      %mul3A_39 = arith.constant 0.111111112 : f32
      %mul3A_40 = vector.broadcast %mul3A_39 : f32 to vector<16xf32>
      %mul3A_41 = arith.mulf %mul3A_35, %mul3A_40 : vector<16xf32>
      %add3A_42 = arith.constant 0.142857149 : f32
      %add3A_43 = vector.broadcast %add3A_42 : f32 to vector<16xf32>
      %add3A_44 = arith.addf %add3A_43, %mul3A_41 : vector<16xf32>
      %mul3A_45 = arith.mulf %mul3A_35, %add3A_44 : vector<16xf32>
      %add3A_46 = arith.constant 2.000000e-01 : f32
      %add3A_47 = vector.broadcast %add3A_46 : f32 to vector<16xf32>
      %add3A_48 = arith.addf %add3A_47, %mul3A_45 : vector<16xf32>
      %mul3A_49 = arith.mulf %mul3A_35, %add3A_48 : vector<16xf32>
      %add3A_50 = arith.constant 0.333333343 : f32
      %add3A_51 = vector.broadcast %add3A_50 : f32 to vector<16xf32>
      %add3A_52 = arith.addf %add3A_51, %mul3A_49 : vector<16xf32>
      %mul3A_53 = arith.mulf %mul3A_35, %add3A_52 : vector<16xf32>
      %add3A_54 = arith.constant 1.000000e+00 : f32
      %add3A_55 = vector.broadcast %add3A_54 : f32 to vector<16xf32>
      %add3A_56 = arith.addf %add3A_55, %mul3A_53 : vector<16xf32>
      %mul3A_57 = arith.mulf %mul3A_38, %add3A_56 : vector<16xf32>
      %max3A = arith.constant 0.000000e+00 : f32
      %max3A_58 = vector.broadcast %max3A : f32 to vector<16xf32>
      %max3A_59 = arith.maximumf %get3A_29, %max3A_58 : vector<16xf32>
      %add3A_60 = arith.addf %max3A_59, %mul3A_57 : vector<16xf32>
      %min3A = arith.constant 1.000000e+02 : f32
      %min3A_61 = vector.broadcast %min3A : f32 to vector<16xf32>
      %min3A_62 = arith.minimumf %add3A_60, %min3A_61 : vector<16xf32>
      %neg3A_63 = arith.constant 0.000000e+00 : f32
      %neg3A_64 = vector.broadcast %neg3A_63 : f32 to vector<16xf32>
      %neg3A_65 = arith.subf %neg3A_64, %min3A_62 : vector<16xf32>
      %add3A_66 = arith.addf %scan3A_21, %neg3A_65 : vector<16xf32>
      %mul3A_67 = arith.constant 8 : i32
      %mul3A_68 = arith.muli %scan3A_20, %mul3A_67 : i32
      %add3A_69 = arith.constant 1 : i32
      %add3A_70 = arith.addi %mul3A_68, %add3A_69 : i32
      %mul3A_71 = arith.constant 16 : i32
      %mul3A_72 = arith.muli %add3A_70, %mul3A_71 : i32
      %get3A_73 = arith.index_cast %mul3A_72 : i32 to index
      %get3A_74 = tpu.vector_load %arg12[%get3A_73] {strides = array<i32>} : memref<12800xf32, #tpu.memory_space<vmem>>, vector<16xf32>,
      %abs3A_75 = math.absf %get3A_74 : vector<16xf32>
      %neg3A_76 = arith.constant 0.000000e+00 : f32
      %neg3A_77 = vector.broadcast %neg3A_76 : f32 to vector<16xf32>
      %neg3A_78 = arith.subf %neg3A_77, %abs3A_75 : vector<16xf32>
      %exp3A_79 = math.exp %neg3A_78 : vector<16xf32>
      %add3A_80 = arith.constant 2.000000e+00 : f32
      %add3A_81 = vector.broadcast %add3A_80 : f32 to vector<16xf32>
      %add3A_82 = arith.addf %add3A_81, %exp3A_79 : vector<16xf32>
      %div3A_83 = arith.divf %exp3A_79, %add3A_82 : vector<16xf32>
      %mul3A_84 = arith.mulf %div3A_83, %div3A_83 : vector<16xf32>
      %mul3A_85 = arith.constant 2.000000e+00 : f32
      %mul3A_86 = vector.broadcast %mul3A_85 : f32 to vector<16xf32>
      %mul3A_87 = arith.mulf %mul3A_86, %div3A_83 : vector<16xf32>
      %mul3A_88 = arith.constant 0.111111112 : f32
      %mul3A_89 = vector.broadcast %mul3A_88 : f32 to vector<16xf32>
      %mul3A_90 = arith.mulf %mul3A_84, %mul3A_89 : vector<16xf32>
      %add3A_91 = arith.constant 0.142857149 : f32
      %add3A_92 = vector.broadcast %add3A_91 : f32 to vector<16xf32>
      %add3A_93 = arith.addf %add3A_92, %mul3A_90 : vector<16xf32>
      %mul3A_94 = arith.mulf %mul3A_84, %add3A_93 : vector<16xf32>
      %add3A_95 = arith.constant 2.000000e-01 : f32
      %add3A_96 = vector.broadcast %add3A_95 : f32 to vector<16xf32>
      %add3A_97 = arith.addf %add3A_96, %mul3A_94 : vector<16xf32>
      %mul3A_98 = arith.mulf %mul3A_84, %add3A_97 : vector<16xf32>
      %add3A_99 = arith.constant 0.333333343 : f32
      %add3A_100 = vector.broadcast %add3A_99 : f32 to vector<16xf32>
      %add3A_101 = arith.addf %add3A_100, %mul3A_98 : vector<16xf32>
      %mul3A_102 = arith.mulf %mul3A_84, %add3A_101 : vector<16xf32>
      %add3A_103 = arith.constant 1.000000e+00 : f32
      %add3A_104 = vector.broadcast %add3A_103 : f32 to vector<16xf32>
      %add3A_105 = arith.addf %add3A_104, %mul3A_102 : vector<16xf32>
      %mul3A_106 = arith.mulf %mul3A_87, %add3A_105 : vector<16xf32>
      %max3A_107 = arith.constant 0.000000e+00 : f32
      %max3A_108 = vector.broadcast %max3A_107 : f32 to vector<16xf32>
      %max3A_109 = arith.maximumf %get3A_74, %max3A_108 : vector<16xf32>
      %add3A_110 = arith.addf %max3A_109, %mul3A_106 : vector<16xf32>
      %min3A_111 = arith.constant 1.000000e+02 : f32
      %min3A_112 = vector.broadcast %min3A_111 : f32 to vector<16xf32>
      %min3A_113 = arith.minimumf %add3A_110, %min3A_112 : vector<16xf32>
      %neg3A_114 = arith.constant 0.000000e+00 : f32
      %neg3A_115 = vector.broadcast %neg3A_114 : f32 to vector<16xf32>
      %neg3A_116 = arith.subf %neg3A_115, %min3A_113 : vector<16xf32>
      %add3A_117 = arith.addf %add3A_66, %neg3A_116 : vector<16xf32>
      %mul3A_118 = arith.constant 8 : i32
      %mul3A_119 = arith.muli %scan3A_20, %mul3A_118 : i32
      %add3A_120 = arith.constant 2 : i32
      %add3A_121 = arith.addi %mul3A_119, %add3A_120 : i32
      %mul3A_122 = arith.constant 16 : i32
      %mul3A_123 = arith.muli %add3A_121, %mul3A_122 : i32
      %get3A_124 = arith.index_cast %mul3A_123 : i32 to index
      %get3A_125 = tpu.vector_load %arg12[%get3A_124] {strides = array<i32>} : memref<12800xf32, #tpu.memory_space<vmem>>, vector<16xf32>,
      %abs3A_126 = math.absf %get3A_125 : vector<16xf32>
      %neg3A_127 = arith.constant 0.000000e+00 : f32
      %neg3A_128 = vector.broadcast %neg3A_127 : f32 to vector<16xf32>
      %neg3A_129 = arith.subf %neg3A_128, %abs3A_126 : vector<16xf32>
      %exp3A_130 = math.exp %neg3A_129 : vector<16xf32>
      %add3A_131 = arith.constant 2.000000e+00 : f32
      %add3A_132 = vector.broadcast %add3A_131 : f32 to vector<16xf32>
      %add3A_133 = arith.addf %add3A_132, %exp3A_130 : vector<16xf32>
      %div3A_134 = arith.divf %exp3A_130, %add3A_133 : vector<16xf32>
      %mul3A_135 = arith.mulf %div3A_134, %div3A_134 : vector<16xf32>
      %mul3A_136 = arith.constant 2.000000e+00 : f32
      %mul3A_137 = vector.broadcast %mul3A_136 : f32 to vector<16xf32>
      %mul3A_138 = arith.mulf %mul3A_137, %div3A_134 : vector<16xf32>
      %mul3A_139 = arith.constant 0.111111112 : f32
      %mul3A_140 = vector.broadcast %mul3A_139 : f32 to vector<16xf32>
      %mul3A_141 = arith.mulf %mul3A_135, %mul3A_140 : vector<16xf32>
      %add3A_142 = arith.constant 0.142857149 : f32
      %add3A_143 = vector.broadcast %add3A_142 : f32 to vector<16xf32>
      %add3A_144 = arith.addf %add3A_143, %mul3A_141 : vector<16xf32>
      %mul3A_145 = arith.mulf %mul3A_135, %add3A_144 : vector<16xf32>
      %add3A_146 = arith.constant 2.000000e-01 : f32
      %add3A_147 = vector.broadcast %add3A_146 : f32 to vector<16xf32>
      %add3A_148 = arith.addf %add3A_147, %mul3A_145 : vector<16xf32>
      %mul3A_149 = arith.mulf %mul3A_135, %add3A_148 : vector<16xf32>
      %add3A_150 = arith.constant 0.333333343 : f32
      %add3A_151 = vector.broadcast %add3A_150 : f32 to vector<16xf32>
      %add3A_152 = arith.addf %add3A_151, %mul3A_149 : vector<16xf32>
      %mul3A_153 = arith.mulf %mul3A_135, %add3A_152 : vector<16xf32>
      %add3A_154 = arith.constant 1.000000e+00 : f32
      %add3A_155 = vector.broadcast %add3A_154 : f32 to vector<16xf32>
      %add3A_156 = arith.addf %add3A_155, %mul3A_153 : vector<16xf32>
      %mul3A_157 = arith.mulf %mul3A_138, %add3A_156 : vector<16xf32>
      %max3A_158 = arith.constant 0.000000e+00 : f32
      %max3A_159 = vector.broadcast %max3A_158 : f32 to vector<16xf32>
      %max3A_160 = arith.maximumf %get3A_125, %max3A_159 : vector<16xf32>
      %add3A_161 = arith.addf %max3A_160, %mul3A_157 : vector<16xf32>
      %min3A_162 = arith.constant 1.000000e+02 : f32
      %min3A_163 = vector.broadcast %min3A_162 : f32 to vector<16xf32>
      %min3A_164 = arith.minimumf %add3A_161, %min3A_163 : vector<16xf32>
      %neg3A_165 = arith.constant 0.000000e+00 : f32
      %neg3A_166 = vector.broadcast %neg3A_165 : f32 to vector<16xf32>
      %neg3A_167 = arith.subf %neg3A_166, %min3A_164 : vector<16xf32>
      %add3A_168 = arith.addf %add3A_117, %neg3A_167 : vector<16xf32>
      %mul3A_169 = arith.constant 8 : i32
      %mul3A_170 = arith.muli %scan3A_20, %mul3A_169 : i32
      %add3A_171 = arith.constant 3 : i32
      %add3A_172 = arith.addi %mul3A_170, %add3A_171 : i32
      %mul3A_173 = arith.constant 16 : i32
      %mul3A_174 = arith.muli %add3A_172, %mul3A_173 : i32
      %get3A_175 = arith.index_cast %mul3A_174 : i32 to index
      %get3A_176 = tpu.vector_load %arg12[%get3A_175] {strides = array<i32>} : memref<12800xf32, #tpu.memory_space<vmem>>, vector<16xf32>,
      %abs3A_177 = math.absf %get3A_176 : vector<16xf32>
      %neg3A_178 = arith.constant 0.000000e+00 : f32
      %neg3A_179 = vector.broadcast %neg3A_178 : f32 to vector<16xf32>
      %neg3A_180 = arith.subf %neg3A_179, %abs3A_177 : vector<16xf32>
      %exp3A_181 = math.exp %neg3A_180 : vector<16xf32>
      %add3A_182 = arith.constant 2.000000e+00 : f32
      %add3A_183 = vector.broadcast %add3A_182 : f32 to vector<16xf32>
      %add3A_184 = arith.addf %add3A_183, %exp3A_181 : vector<16xf32>
      %div3A_185 = arith.divf %exp3A_181, %add3A_184 : vector<16xf32>
      %mul3A_186 = arith.mulf %div3A_185, %div3A_185 : vector<16xf32>
      %mul3A_187 = arith.constant 2.000000e+00 : f32
      %mul3A_188 = vector.broadcast %mul3A_187 : f32 to vector<16xf32>
      %mul3A_189 = arith.mulf %mul3A_188, %div3A_185 : vector<16xf32>
      %mul3A_190 = arith.constant 0.111111112 : f32
      %mul3A_191 = vector.broadcast %mul3A_190 : f32 to vector<16xf32>
      %mul3A_192 = arith.mulf %mul3A_186, %mul3A_191 : vector<16xf32>
      %add3A_193 = arith.constant 0.142857149 : f32
      %add3A_194 = vector.broadcast %add3A_193 : f32 to vector<16xf32>
      %add3A_195 = arith.addf %add3A_194, %mul3A_192 : vector<16xf32>
      %mul3A_196 = arith.mulf %mul3A_186, %add3A_195 : vector<16xf32>
      %add3A_197 = arith.constant 2.000000e-01 : f32
      %add3A_198 = vector.broadcast %add3A_197 : f32 to vector<16xf32>
      %add3A_199 = arith.addf %add3A_198, %mul3A_196 : vector<16xf32>
      %mul3A_200 = arith.mulf %mul3A_186, %add3A_199 : vector<16xf32>
      %add3A_201 = arith.constant 0.333333343 : f32
      %add3A_202 = vector.broadcast %add3A_201 : f32 to vector<16xf32>
      %add3A_203 = arith.addf %add3A_202, %mul3A_200 : vector<16xf32>
      %mul3A_204 = arith.mulf %mul3A_186, %add3A_203 : vector<16xf32>
      %add3A_205 = arith.constant 1.000000e+00 : f32
      %add3A_206 = vector.broadcast %add3A_205 : f32 to vector<16xf32>
      %add3A_207 = arith.addf %add3A_206, %mul3A_204 : vector<16xf32>
      %mul3A_208 = arith.mulf %mul3A_189, %add3A_207 : vector<16xf32>
      %max3A_209 = arith.constant 0.000000e+00 : f32
      %max3A_210 = vector.broadcast %max3A_209 : f32 to vector<16xf32>
      %max3A_211 = arith.maximumf %get3A_176, %max3A_210 : vector<16xf32>
      %add3A_212 = arith.addf %max3A_211, %mul3A_208 : vector<16xf32>
      %min3A_213 = arith.constant 1.000000e+02 : f32
      %min3A_214 = vector.broadcast %min3A_213 : f32 to vector<16xf32>
      %min3A_215 = arith.minimumf %add3A_212, %min3A_214 : vector<16xf32>
      %neg3A_216 = arith.constant 0.000000e+00 : f32
      %neg3A_217 = vector.broadcast %neg3A_216 : f32 to vector<16xf32>
      %neg3A_218 = arith.subf %neg3A_217, %min3A_215 : vector<16xf32>
      %add3A_219 = arith.addf %add3A_168, %neg3A_218 : vector<16xf32>
      %mul3A_220 = arith.constant 8 : i32
      %mul3A_221 = arith.muli %scan3A_20, %mul3A_220 : i32
      %add3A_222 = arith.constant 4 : i32
      %add3A_223 = arith.addi %mul3A_221, %add3A_222 : i32
      %mul3A_224 = arith.constant 16 : i32
      %mul3A_225 = arith.muli %add3A_223, %mul3A_224 : i32
      %get3A_226 = arith.index_cast %mul3A_225 : i32 to index
      %get3A_227 = tpu.vector_load %arg12[%get3A_226] {strides = array<i32>} : memref<12800xf32, #tpu.memory_space<vmem>>, vector<16xf32>,
      %abs3A_228 = math.absf %get3A_227 : vector<16xf32>
      %neg3A_229 = arith.constant 0.000000e+00 : f32
      %neg3A_230 = vector.broadcast %neg3A_229 : f32 to vector<16xf32>
      %neg3A_231 = arith.subf %neg3A_230, %abs3A_228 : vector<16xf32>
      %exp3A_232 = math.exp %neg3A_231 : vector<16xf32>
      %add3A_233 = arith.constant 2.000000e+00 : f32
      %add3A_234 = vector.broadcast %add3A_233 : f32 to vector<16xf32>
      %add3A_235 = arith.addf %add3A_234, %exp3A_232 : vector<16xf32>
      %div3A_236 = arith.divf %exp3A_232, %add3A_235 : vector<16xf32>
      %mul3A_237 = arith.mulf %div3A_236, %div3A_236 : vector<16xf32>
      %mul3A_238 = arith.constant 2.000000e+00 : f32
      %mul3A_239 = vector.broadcast %mul3A_238 : f32 to vector<16xf32>
      %mul3A_240 = arith.mulf %mul3A_239, %div3A_236 : vector<16xf32>
      %mul3A_241 = arith.constant 0.111111112 : f32
      %mul3A_242 = vector.broadcast %mul3A_241 : f32 to vector<16xf32>
      %mul3A_243 = arith.mulf %mul3A_237, %mul3A_242 : vector<16xf32>
      %add3A_244 = arith.constant 0.142857149 : f32
      %add3A_245 = vector.broadcast %add3A_244 : f32 to vector<16xf32>
      %add3A_246 = arith.addf %add3A_245, %mul3A_243 : vector<16xf32>
      %mul3A_247 = arith.mulf %mul3A_237, %add3A_246 : vector<16xf32>
      %add3A_248 = arith.constant 2.000000e-01 : f32
      %add3A_249 = vector.broadcast %add3A_248 : f32 to vector<16xf32>
      %add3A_250 = arith.addf %add3A_249, %mul3A_247 : vector<16xf32>
      %mul3A_251 = arith.mulf %mul3A_237, %add3A_250 : vector<16xf32>
      %add3A_252 = arith.constant 0.333333343 : f32
      %add3A_253 = vector.broadcast %add3A_252 : f32 to vector<16xf32>
      %add3A_254 = arith.addf %add3A_253, %mul3A_251 : vector<16xf32>
      %mul3A_255 = arith.mulf %mul3A_237, %add3A_254 : vector<16xf32>
      %add3A_256 = arith.constant 1.000000e+00 : f32
      %add3A_257 = vector.broadcast %add3A_256 : f32 to vector<16xf32>
      %add3A_258 = arith.addf %add3A_257, %mul3A_255 : vector<16xf32>
      %mul3A_259 = arith.mulf %mul3A_240, %add3A_258 : vector<16xf32>
      %max3A_260 = arith.constant 0.000000e+00 : f32
      %max3A_261 = vector.broadcast %max3A_260 : f32 to vector<16xf32>
      %max3A_262 = arith.maximumf %get3A_227, %max3A_261 : vector<16xf32>
      %add3A_263 = arith.addf %max3A_262, %mul3A_259 : vector<16xf32>
      %min3A_264 = arith.constant 1.000000e+02 : f32
      %min3A_265 = vector.broadcast %min3A_264 : f32 to vector<16xf32>
      %min3A_266 = arith.minimumf %add3A_263, %min3A_265 : vector<16xf32>
      %neg3A_267 = arith.constant 0.000000e+00 : f32
      %neg3A_268 = vector.broadcast %neg3A_267 : f32 to vector<16xf32>
      %neg3A_269 = arith.subf %neg3A_268, %min3A_266 : vector<16xf32>
      %add3A_270 = arith.addf %add3A_219, %neg3A_269 : vector<16xf32>
      %mul3A_271 = arith.constant 8 : i32
      %mul3A_272 = arith.muli %scan3A_20, %mul3A_271 : i32
      %add3A_273 = arith.constant 5 : i32
      %add3A_274 = arith.addi %mul3A_272, %add3A_273 : i32
      %mul3A_275 = arith.constant 16 : i32
      %mul3A_276 = arith.muli %add3A_274, %mul3A_275 : i32
      %get3A_277 = arith.index_cast %mul3A_276 : i32 to index
      %get3A_278 = tpu.vector_load %arg12[%get3A_277] {strides = array<i32>} : memref<12800xf32, #tpu.memory_space<vmem>>, vector<16xf32>,
      %abs3A_279 = math.absf %get3A_278 : vector<16xf32>
      %neg3A_280 = arith.constant 0.000000e+00 : f32
      %neg3A_281 = vector.broadcast %neg3A_280 : f32 to vector<16xf32>
      %neg3A_282 = arith.subf %neg3A_281, %abs3A_279 : vector<16xf32>
      %exp3A_283 = math.exp %neg3A_282 : vector<16xf32>
      %add3A_284 = arith.constant 2.000000e+00 : f32
      %add3A_285 = vector.broadcast %add3A_284 : f32 to vector<16xf32>
      %add3A_286 = arith.addf %add3A_285, %exp3A_283 : vector<16xf32>
      %div3A_287 = arith.divf %exp3A_283, %add3A_286 : vector<16xf32>
      %mul3A_288 = arith.mulf %div3A_287, %div3A_287 : vector<16xf32>
      %mul3A_289 = arith.constant 2.000000e+00 : f32
      %mul3A_290 = vector.broadcast %mul3A_289 : f32 to vector<16xf32>
      %mul3A_291 = arith.mulf %mul3A_290, %div3A_287 : vector<16xf32>
      %mul3A_292 = arith.constant 0.111111112 : f32
      %mul3A_293 = vector.broadcast %mul3A_292 : f32 to vector<16xf32>
      %mul3A_294 = arith.mulf %mul3A_288, %mul3A_293 : vector<16xf32>
      %add3A_295 = arith.constant 0.142857149 : f32
      %add3A_296 = vector.broadcast %add3A_295 : f32 to vector<16xf32>
      %add3A_297 = arith.addf %add3A_296, %mul3A_294 : vector<16xf32>
      %mul3A_298 = arith.mulf %mul3A_288, %add3A_297 : vector<16xf32>
      %add3A_299 = arith.constant 2.000000e-01 : f32
      %add3A_300 = vector.broadcast %add3A_299 : f32 to vector<16xf32>
      %add3A_301 = arith.addf %add3A_300, %mul3A_298 : vector<16xf32>
      %mul3A_302 = arith.mulf %mul3A_288, %add3A_301 : vector<16xf32>
      %add3A_303 = arith.constant 0.333333343 : f32
      %add3A_304 = vector.broadcast %add3A_303 : f32 to vector<16xf32>
      %add3A_305 = arith.addf %add3A_304, %mul3A_302 : vector<16xf32>
      %mul3A_306 = arith.mulf %mul3A_288, %add3A_305 : vector<16xf32>
      %add3A_307 = arith.constant 1.000000e+00 : f32
      %add3A_308 = vector.broadcast %add3A_307 : f32 to vector<16xf32>
      %add3A_309 = arith.addf %add3A_308, %mul3A_306 : vector<16xf32>
      %mul3A_310 = arith.mulf %mul3A_291, %add3A_309 : vector<16xf32>
      %max3A_311 = arith.constant 0.000000e+00 : f32
      %max3A_312 = vector.broadcast %max3A_311 : f32 to vector<16xf32>
      %max3A_313 = arith.maximumf %get3A_278, %max3A_312 : vector<16xf32>
      %add3A_314 = arith.addf %max3A_313, %mul3A_310 : vector<16xf32>
      %min3A_315 = arith.constant 1.000000e+02 : f32
      %min3A_316 = vector.broadcast %min3A_315 : f32 to vector<16xf32>
      %min3A_317 = arith.minimumf %add3A_314, %min3A_316 : vector<16xf32>
      %neg3A_318 = arith.constant 0.000000e+00 : f32
      %neg3A_319 = vector.broadcast %neg3A_318 : f32 to vector<16xf32>
      %neg3A_320 = arith.subf %neg3A_319, %min3A_317 : vector<16xf32>
      %add3A_321 = arith.addf %add3A_270, %neg3A_320 : vector<16xf32>
      %mul3A_322 = arith.constant 8 : i32
      %mul3A_323 = arith.muli %scan3A_20, %mul3A_322 : i32
      %add3A_324 = arith.constant 6 : i32
      %add3A_325 = arith.addi %mul3A_323, %add3A_324 : i32
      %mul3A_326 = arith.constant 16 : i32
      %mul3A_327 = arith.muli %add3A_325, %mul3A_326 : i32
      %get3A_328 = arith.index_cast %mul3A_327 : i32 to index
      %get3A_329 = tpu.vector_load %arg12[%get3A_328] {strides = array<i32>} : memref<12800xf32, #tpu.memory_space<vmem>>, vector<16xf32>,
      %abs3A_330 = math.absf %get3A_329 : vector<16xf32>
      %neg3A_331 = arith.constant 0.000000e+00 : f32
      %neg3A_332 = vector.broadcast %neg3A_331 : f32 to vector<16xf32>
      %neg3A_333 = arith.subf %neg3A_332, %abs3A_330 : vector<16xf32>
      %exp3A_334 = math.exp %neg3A_333 : vector<16xf32>
      %add3A_335 = arith.constant 2.000000e+00 : f32
      %add3A_336 = vector.broadcast %add3A_335 : f32 to vector<16xf32>
      %add3A_337 = arith.addf %add3A_336, %exp3A_334 : vector<16xf32>
      %div3A_338 = arith.divf %exp3A_334, %add3A_337 : vector<16xf32>
      %mul3A_339 = arith.mulf %div3A_338, %div3A_338 : vector<16xf32>
      %mul3A_340 = arith.constant 2.000000e+00 : f32
      %mul3A_341 = vector.broadcast %mul3A_340 : f32 to vector<16xf32>
      %mul3A_342 = arith.mulf %mul3A_341, %div3A_338 : vector<16xf32>
      %mul3A_343 = arith.constant 0.111111112 : f32
      %mul3A_344 = vector.broadcast %mul3A_343 : f32 to vector<16xf32>
      %mul3A_345 = arith.mulf %mul3A_339, %mul3A_344 : vector<16xf32>
      %add3A_346 = arith.constant 0.142857149 : f32
      %add3A_347 = vector.broadcast %add3A_346 : f32 to vector<16xf32>
      %add3A_348 = arith.addf %add3A_347, %mul3A_345 : vector<16xf32>
      %mul3A_349 = arith.mulf %mul3A_339, %add3A_348 : vector<16xf32>
      %add3A_350 = arith.constant 2.000000e-01 : f32
      %add3A_351 = vector.broadcast %add3A_350 : f32 to vector<16xf32>
      %add3A_352 = arith.addf %add3A_351, %mul3A_349 : vector<16xf32>
      %mul3A_353 = arith.mulf %mul3A_339, %add3A_352 : vector<16xf32>
      %add3A_354 = arith.constant 0.333333343 : f32
      %add3A_355 = vector.broadcast %add3A_354 : f32 to vector<16xf32>
      %add3A_356 = arith.addf %add3A_355, %mul3A_353 : vector<16xf32>
      %mul3A_357 = arith.mulf %mul3A_339, %add3A_356 : vector<16xf32>
      %add3A_358 = arith.constant 1.000000e+00 : f32
      %add3A_359 = vector.broadcast %add3A_358 : f32 to vector<16xf32>
      %add3A_360 = arith.addf %add3A_359, %mul3A_357 : vector<16xf32>
      %mul3A_361 = arith.mulf %mul3A_342, %add3A_360 : vector<16xf32>
      %max3A_362 = arith.constant 0.000000e+00 : f32
      %max3A_363 = vector.broadcast %max3A_362 : f32 to vector<16xf32>
      %max3A_364 = arith.maximumf %get3A_329, %max3A_363 : vector<16xf32>
      %add3A_365 = arith.addf %max3A_364, %mul3A_361 : vector<16xf32>
      %min3A_366 = arith.constant 1.000000e+02 : f32
      %min3A_367 = vector.broadcast %min3A_366 : f32 to vector<16xf32>
      %min3A_368 = arith.minimumf %add3A_365, %min3A_367 : vector<16xf32>
      %neg3A_369 = arith.constant 0.000000e+00 : f32
      %neg3A_370 = vector.broadcast %neg3A_369 : f32 to vector<16xf32>
      %neg3A_371 = arith.subf %neg3A_370, %min3A_368 : vector<16xf32>
      %add3A_372 = arith.addf %add3A_321, %neg3A_371 : vector<16xf32>
      %mul3A_373 = arith.constant 8 : i32
      %mul3A_374 = arith.muli %scan3A_20, %mul3A_373 : i32
      %add3A_375 = arith.constant 7 : i32
      %add3A_376 = arith.addi %mul3A_374, %add3A_375 : i32
      %mul3A_377 = arith.constant 16 : i32
      %mul3A_378 = arith.muli %add3A_376, %mul3A_377 : i32
      %get3A_379 = arith.index_cast %mul3A_378 : i32 to index
      %get3A_380 = tpu.vector_load %arg12[%get3A_379] {strides = array<i32>} : memref<12800xf32, #tpu.memory_space<vmem>>, vector<16xf32>,
      %abs3A_381 = math.absf %get3A_380 : vector<16xf32>
      %neg3A_382 = arith.constant 0.000000e+00 : f32
      %neg3A_383 = vector.broadcast %neg3A_382 : f32 to vector<16xf32>
      %neg3A_384 = arith.subf %neg3A_383, %abs3A_381 : vector<16xf32>
      %exp3A_385 = math.exp %neg3A_384 : vector<16xf32>
      %add3A_386 = arith.constant 2.000000e+00 : f32
      %add3A_387 = vector.broadcast %add3A_386 : f32 to vector<16xf32>
      %add3A_388 = arith.addf %add3A_387, %exp3A_385 : vector<16xf32>
      %div3A_389 = arith.divf %exp3A_385, %add3A_388 : vector<16xf32>
      %mul3A_390 = arith.mulf %div3A_389, %div3A_389 : vector<16xf32>
      %mul3A_391 = arith.constant 2.000000e+00 : f32
      %mul3A_392 = vector.broadcast %mul3A_391 : f32 to vector<16xf32>
      %mul3A_393 = arith.mulf %mul3A_392, %div3A_389 : vector<16xf32>
      %mul3A_394 = arith.constant 0.111111112 : f32
      %mul3A_395 = vector.broadcast %mul3A_394 : f32 to vector<16xf32>
      %mul3A_396 = arith.mulf %mul3A_390, %mul3A_395 : vector<16xf32>
      %add3A_397 = arith.constant 0.142857149 : f32
      %add3A_398 = vector.broadcast %add3A_397 : f32 to vector<16xf32>
      %add3A_399 = arith.addf %add3A_398, %mul3A_396 : vector<16xf32>
      %mul3A_400 = arith.mulf %mul3A_390, %add3A_399 : vector<16xf32>
      %add3A_401 = arith.constant 2.000000e-01 : f32
      %add3A_402 = vector.broadcast %add3A_401 : f32 to vector<16xf32>
      %add3A_403 = arith.addf %add3A_402, %mul3A_400 : vector<16xf32>
      %mul3A_404 = arith.mulf %mul3A_390, %add3A_403 : vector<16xf32>
      %add3A_405 = arith.constant 0.333333343 : f32
      %add3A_406 = vector.broadcast %add3A_405 : f32 to vector<16xf32>
      %add3A_407 = arith.addf %add3A_406, %mul3A_404 : vector<16xf32>
      %mul3A_408 = arith.mulf %mul3A_390, %add3A_407 : vector<16xf32>
      %add3A_409 = arith.constant 1.000000e+00 : f32
      %add3A_410 = vector.broadcast %add3A_409 : f32 to vector<16xf32>
      %add3A_411 = arith.addf %add3A_410, %mul3A_408 : vector<16xf32>
      %mul3A_412 = arith.mulf %mul3A_393, %add3A_411 : vector<16xf32>
      %max3A_413 = arith.constant 0.000000e+00 : f32
      %max3A_414 = vector.broadcast %max3A_413 : f32 to vector<16xf32>
      %max3A_415 = arith.maximumf %get3A_380, %max3A_414 : vector<16xf32>
      %add3A_416 = arith.addf %max3A_415, %mul3A_412 : vector<16xf32>
      %min3A_417 = arith.constant 1.000000e+02 : f32
      %min3A_418 = vector.broadcast %min3A_417 : f32 to vector<16xf32>
      %min3A_419 = arith.minimumf %add3A_416, %min3A_418 : vector<16xf32>
      %neg3A_420 = arith.constant 0.000000e+00 : f32
      %neg3A_421 = vector.broadcast %neg3A_420 : f32 to vector<16xf32>
      %neg3A_422 = arith.subf %neg3A_421, %min3A_419 : vector<16xf32>
      %add3A_423 = arith.addf %add3A_372, %neg3A_422 : vector<16xf32>
      scf.yield %add3A_423 : vector<16xf32>
    }
    %scan3A_13 = arith.constant 100 : i32
    %get3A = arith.constant 0 : index
    %get3A_14 = tpu.vector_load %arg11[%get3A] {strides = array<i32>} : memref<16xf32, #tpu.memory_space<vmem>>, vector<16xf32>,
    %add3A_15 = arith.addf %scan3A_12, %get3A_14 : vector<16xf32>
    %swap3A_16 = arith.constant 0 : index
    %swap3A_17 = tpu.vector_load %arg11[%swap3A_16] {strides = array<i32>} : memref<16xf32, #tpu.memory_space<vmem>>, vector<16xf32>,
    tpu.vector_store %arg11[%swap3A_16], %add3A_15 {strides = array<i32>} : memref<16xf32, #tpu.memory_space<vmem>>, vector<16xf32>,
    %mul3A_18 = arith.constant 16 : i32
    %mul3A_19 = arith.muli %add3A, %mul3A_18 : i32
    "tpu.region"() ({
      %run_scoped3A = tpu.sem_alloc : memref<!tpu.dma_semaphore, #tpu.memory_space<semaphore_mem>>
      %dma_start3A_20 = tpu.memref_slice %arg4[%mul3A_19] : memref<512xf32, #tpu.memory_space<hbm>> -> memref<16xf32, #tpu.memory_space<hbm>>
      %dma_start3A_21 = tpu.memref_slice %arg4[%mul3A_19] : memref<512xf32, #tpu.memory_space<hbm>> -> memref<16xf32, #tpu.memory_space<hbm>>
      tpu.enqueue_dma source(%arg11 : memref<16xf32, #tpu.memory_space<vmem>>) target(%dma_start3A_21 : memref<16xf32, #tpu.memory_space<hbm>>) target_semaphore(%run_scoped3A : memref<!tpu.dma_semaphore, #tpu.memory_space<semaphore_mem>>)
      %dma_wait3A_22 = tpu.memref_slice %arg4[%mul3A_19] : memref<512xf32, #tpu.memory_space<hbm>> -> memref<16xf32, #tpu.memory_space<hbm>>
      %dma_wait3A_23 = tpu.memref_slice %arg4[%mul3A_19] : memref<512xf32, #tpu.memory_space<hbm>> -> memref<16xf32, #tpu.memory_space<hbm>>
      tpu.wait_dma2 semaphore(%run_scoped3A : memref<!tpu.dma_semaphore, #tpu.memory_space<semaphore_mem>>) src(%arg11 : memref<16xf32, #tpu.memory_space<vmem>>) dst(%dma_wait3A_23 : memref<16xf32, #tpu.memory_space<hbm>>)
      tpu.yield
    }) : () -> ()
    return
  }
}

</mosaic_0001>

<sc_bundles>
// kernel: kernel.3.cloned.1.call-start
scs
__scs_entry_jumppad:
0x0: {  	(pc) =	sbr.rel $0x88, $3  }
0x1: {  	(tag) =	ssettag $0x0;
	lr =	simm.s32 $0x1  }
0x2: {  	[smem:$0x3F9F] =	sst lr;
	_ =	strace $0xD0000000  }
0x3: {  	_ = 	snop  }
0x4: {  	_ = 	snop  }
0x5: {  	_ = 	snop  }
0x6: {  	_ = 	snop  }
0x7: {  	_ = 	snop  }
__scs_overlays_trampoline_lowered:
0x8: {  	[smem:$0x3FAE] =	sst s0  }
0x9: {  	[smem:$0x3FAF] =	sst s1  }
0xa: {  	[smem:$0x3FB0] =	sst s2  }
0xb: {  	[smem:$0x3FB1] =	sst s3  }
0xc: {  	[smem:$0x3FB2] =	sst s4  }
0xd: {  	[smem:$0x3FB3] =	sst s5  }
0xe: {  	[smem:$0x3FB4] =	sst s6  }
0xf: {  	[smem:$0x3FB5] =	sst s7  }
0x10: {  	[smem:$0x3FB6] =	sst s8  }
0x11: {  	[smem:$0x3FB7] =	sst s9;
	s0 =	simm.s32 @!p0 $0x0  }
0x12: {  	s1 =	sld [smem:$0x3F9D];
	s0 =	simm.s32 @p0 $0x1  }
0x13: {  	[smem:$0x3FB8] =	sst s0;
	s0 =	simm.s32 @!p1 $0x0  }
0x14: {  	s2 =	sld [smem:$0x3F9C];
	s0 =	simm.s32 @p1 $0x1  }
0x15: {  	[smem:$0x3FB9] =	sst s0;
	s0 =	simm.s32 @!p2 $0x0  }
0x16: {  	s3 =	sld [smem:$0x3FDB];
	s0 =	simm.s32 @p2 $0x1  }
0x17: {  	s4 =	simm.s32 $0x1BF5;
	[smem:$0x3FBB] =	sst s0  }
0x18: {  	s0 =	sld [smem:$0x3F9E];
	_ =	swait.ge [sflag:s4], $0x0  }
0x19: {  	s7 =	sld [smem:$0x3F9F]  }
0x1a: {  	s8 =	sadd.s32 $0xFFFFE003, lr  }
0x1b: {  	s9 =	sadd.s32 $0xFFFFFEF7, lr;
	s5 =	simm.s32 $0xFFFFFFFF;
	p2 =	slt.u32 s8, $0xFFFFF086  }
0x1c: {  	p1 =	slt.u32 s9, $0xF7A;
	s5 =	simm.s32 @!p2 $0x0  }
0x1d: {  	s5 =	simm.s32 @p1 $0x1;
	p0 =	seq.s32 s7, s2  }
0x1e: {  	s7 =	smul.u32 @!p0 $0xF7A, s2;
	p2 =	seq.s32 @!p0 s5, $0x0  }
0x1f: {  	s9 =	smul.u32 $0xF7A, s1;
	s8 =	simm.s32 @!p0 $0x1BF5;
	p2 =	por !p2, p0  }
0x20: {  	[sflag:s8] =	ssyncset.s32 @!p0 $0xFFFFF086;
	s6 =	sadd.s32 @!p0 s3, s7;
	s7 =	simm.s32 @!p0 $0x108  }
0x21: {  	s3 =	sadd.s32 s3, s9;
	s6 =	sadd.s32 @!p0 $0x88, s6;
	s7 =	simm.s32 @p2 $0x1082  }
0x22: {  	[simem:s7], [sflag:s8] =	dma.local @!p0 [hbm:s6], $0xF7A  }
0x23: {  	s9 =	sor.u32 $0xD0000000, s2;
	s6 =	simm.s32 $0x108;
	_ =	swait.ge @!p0 [sflag:s8], $0x0  }
0x24: {  	s3 =	sadd.s32 $0x88, s3;
	s6 =	simm.s32 @!p1 $0x1082;
	[sflag:s4] =	ssyncset.s32 $0xFFFFF086  }
0x25: {  	[simem:s6], [sflag:s4] =	dma.local [hbm:s3], $0xF7A  }
0x26: {  	[smem:$0x3F9F] =	sst s1;
	(tag) =	ssettag s2;
	_ =	strace s9  }
0x27: {  	s1 =	sld [smem:$0x3FAF]  }
0x28: {  	s2 =	sld [smem:$0x3FB0]  }
0x29: {  	s4 =	sld [smem:$0x3FB2]  }
0x2a: {  	p0 =	seq.s32 s5, $0x0;
	s5 =	sld [smem:$0x3FB3]  }
0x2b: {  	s6 =	sld [smem:$0x3FB4]  }
0x2c: {  	s7 =	sld [smem:$0x3FB5]  }
0x2d: {  	s3 =	simm.s32 $0x108;
	s8 =	sld [smem:$0x3FB6]  }
0x2e: {  	s3 =	simm.s32 @!p0 $0x1082;
	s9 =	sld [smem:$0x3FB7]  }
0x2f: {  	lr =	sadd.s32 s0, s3;
	s0 =	sld [smem:$0x3FAE]  }
0x30: {  	s3 =	sld [smem:$0x3FB1]  }
0x31: {  	[smem:$0x3FBA] =	sst s10  }
0x32: {  	s10 =	sld [smem:$0x3FB8];
	_ =	sdelay $0x3  }
0x33: {  	p0 =	seq.s32 s10, $0x1;
	s10 =	sld [smem:$0x3FBA];
	_ =	sdelay $0x3  }
0x34: {  	[smem:$0x3FBA] =	sst s10  }
0x35: {  	s10 =	sld [smem:$0x3FB9];
	_ =	sdelay $0x3  }
0x36: {  	p1 =	seq.s32 s10, $0x1;
	s10 =	sld [smem:$0x3FBA];
	_ =	sdelay $0x3  }
0x37: {  	[smem:$0x3FBA] =	sst s10  }
0x38: {  	s10 =	sld [smem:$0x3FBB]  }
0x39: {  	_ = 	snop;
	(pc) =	sbr.ind lr, $3  }
0x3a: {  	_ = 	snop  }
0x3b: {  	_ = 	snop  }
0x3c: {  	p2 =	seq.s32 s10, $0x1;
	s10 =	sld [smem:$0x3FBA]  }
0x3d: {  	_ =	shalt  }
0x3e: {  	_ =	shalt  }
0x3f: {  	_ =	shalt  }
0x40: {  	_ =	shalt  }
0x41: {  	_ =	shalt  }
0x42: {  	_ =	shalt  }
0x43: {  	_ =	shalt  }
0x44: {  	_ =	shalt  }
0x45: {  	_ =	shalt  }
0x46: {  	_ =	shalt  }
0x47: {  	_ =	shalt  }
0x48: {  	_ =	shalt  }
0x49: {  	_ =	shalt  }
0x4a: {  	_ =	shalt  }
0x4b: {  	_ =	shalt  }
0x4c: {  	_ =	shalt  }
0x4d: {  	_ =	shalt  }
0x4e: {  	_ =	shalt  }
0x4f: {  	_ =	shalt  }
0x50: {  	_ =	shalt  }
0x51: {  	_ =	shalt  }
0x52: {  	_ =	shalt  }
0x53: {  	_ =	shalt  }
0x54: {  	_ =	shalt  }
0x55: {  	_ =	shalt  }
0x56: {  	_ =	shalt  }
0x57: {  	_ =	shalt  }
0x58: {  	_ =	shalt  }
0x59: {  	_ =	shalt  }
0x5a: {  	_ =	shalt  }
0x5b: {  	_ =	shalt  }
0x5c: {  	_ =	shalt  }
0x5d: {  	_ =	shalt  }
0x5e: {  	_ =	shalt  }
0x5f: {  	_ =	shalt  }
0x60: {  	_ =	shalt  }
0x61: {  	_ =	shalt  }
0x62: {  	_ =	shalt  }
0x63: {  	_ =	shalt  }
0x64: {  	_ =	shalt  }
0x65: {  	_ =	shalt  }
0x66: {  	_ =	shalt  }
0x67: {  	_ =	shalt  }
0x68: {  	_ =	shalt  }
0x69: {  	_ =	shalt  }
0x6a: {  	_ =	shalt  }
0x6b: {  	_ =	shalt  }
0x6c: {  	_ =	shalt  }
0x6d: {  	_ =	shalt  }
0x6e: {  	_ =	shalt  }
0x6f: {  	_ =	shalt  }
0x70: {  	_ =	shalt  }
0x71: {  	_ =	shalt  }
0x72: {  	_ =	shalt  }
0x73: {  	_ =	shalt  }
0x74: {  	_ =	shalt  }
0x75: {  	_ =	shalt  }
0x76: {  	_ =	shalt  }
0x77: {  	_ =	shalt  }
0x78: {  	_ =	shalt  }
0x79: {  	_ =	shalt  }
0x7a: {  	_ =	shalt  }
0x7b: {  	_ =	shalt  }
0x7c: {  	_ =	shalt  }
0x7d: {  	_ =	shalt  }
0x7e: {  	_ =	shalt  }
0x7f: {  	_ =	shalt  }
0x80: {  	_ =	shalt  }
0x81: {  	_ =	shalt  }
0x82: {  	_ =	shalt  }
0x83: {  	_ =	shalt  }
0x84: {  	_ =	shalt  }
0x85: {  	_ =	shalt  }
0x86: {  	_ =	shalt  }
0x87: {  	_ =	shalt  }
.Lfunc_end0:
.L_simem_size_0:
called_computation_lowered:
.L_overlay_start_0:
0x88: {  	s2 =	sld [smem:$0x3FD9]  }
0x89: {  	s3 =	sld [smem:$0x3FFE];
	_ =	sdelay $0x1  }
0x8a: {  	s1 =	srdreg.scid  }
0x8b: {  	s0 =	sand.u32 $0x1, s1  }
0x8c: {  	s16 =	sshll.u32 s0, $0xA;
	s2 =	sadd.s32 s3, s2  }
0x8d: {  	s2 =	sadd.s32 s2, s16  }
0x8e: {  	[smem:$0x3FC6] =	sst s2  }
0x8f: {  	_ = 	snop  }
0x90: {  	(tm) =	ssettm $0x1  }
0x91: {  	s17 =	sld [smem:$0x3FFB];
	_ =	sdelay $0x3  }
0x92: {  	_ =	strace s17  }
0x93: {  	s2 =	sld [smem:$0x3FFC];
	_ =	sdelay $0x3  }
0x94: {  	_ =	strace s2  }
0x95: {  	s2 =	sld [smem:$0x3FFD];
	_ =	sdelay $0x3  }
0x96: {  	_ =	strace s2  }
0x97: {  	_ =	strace $0x8FFFFFFF  }
0x98: {  	s18 =	sld [smem:$0x3FDB];
	_ =	sdelay $0x1  }
0x99: {  	s19 =	simm.s32 $_scs_section_size  }
0x9a: {  	s4 =	simm.s32 $_size__tile_overlayer_lowered;
	s5 =	simm.s32 $_tile_overlayer_lowered  }
0x9b: {  	s22 =	simm.s32 $0x1BFF;
	s21 =	sshll.u32 s5, $0x1;
	s2 =	sadd.s32 s19, s18  }
0x9c: {  	s6 =	simm.s32 $0x0;
	s20 =	sshll.u32 s4, $0x1;
	s4 =	sadd.s32 s21, s2  }
0x9d: {  	[timem:s6], [sflag:s22] =	dma.local [hbm:s4], s20  }
0x9e: {  	_ =	swait.ge [sflag:s22], s20  }
0x9f: {  	s3 =	ssub.s32 $0x0, s20;
	[sflag:s22] =	ssyncset.done $0x0  }
0xa0: {  	[sflag:s22] =	ssyncadd.s32 s3;
	_ =	sdelay $0x1  }
0xa1: {  	s23 =	simm.s32 $0x1B8B  }
0xa2: {  	_ =	swait.ge [sflag:s23], $0x1  }
0xa3: {  	[sflag:s23] =	ssyncset.done $0x0  }
0xa4: {  	s25 =	simm.s32 $0x1B8E;
	s24 =	sld [smem:$0x3FFE];
	[sflag:s23] =	ssyncadd.s32 $0xFFFFFFFF  }
0xa5: {  	s26 =	simm.s32 $execute0_lowered;
	[smem:$0x3FD2] =	sst s25  }
0xa6: {  	s4 =	sshll.u32 s26, $0x1;
	_ =	strace $0x80000046;
	[dreg:$0x1] =	wrdreg $0xFFFFFFFF  }
0xa7: {  	s28 =	simm.s32 $_size_execute0_lowered;
	s2 =	sadd.s32 s2, s4;
	[dreg:$0x0] =	wrdreg $0x0  }
0xa8: {  	s4 =	sshll.u32 s28, $0x1;
	[dreg:$0x2] =	wrdreg s2  }
0xa9: {  	[dreg:$0x3] =	wrdreg s4  }
0xaa: {  	[dreg:$0x4] =	wrdreg $0xC0  }
0xab: {  	_ =	task [dreg:s6], $0x5FFFF  }
0xac: {  	[dreg:$0x1] =	wrdreg $0xFFFFFFFF  }
0xad: {  	[dreg:$0x0] =	wrdreg $0x60  }
0xae: {  	[dreg:$0x2] =	wrdreg s24  }
0xaf: {  	[dreg:$0x3] =	wrdreg $0x38000  }
0xb0: {  	[dreg:$0x4] =	wrdreg $0x9  }
0xb1: {  	_ =	task.clear_ibuf [dreg:s6], $0x5FFFF;
	_ =	strace $0x90000046  }
0xb2: {  	s29 =	simm.s32 $0x9;
	_ =	strace $0x80000048  }
0xb3: {  	_ =	swait.ge [sflag:s29], $0x1  }
0xb4: {  	[sflag:s29] =	ssyncadd.s32 $0xFFFFFFFF  }
0xb5: {  	_ =	strace $0x90000048  }
0xb6: {  	_ =	sfence  }
0xb7: {  	s30 =	sld [smem:$0x0];
	_ =	sdelay $0x2  }
0xb8: {  	s31 =	sshll.u32 s1, $0xD;
	s1 =	sshrl.u32 s1, $0x2  }
0xb9: {  	s3 =	sand.u32 $0x4000, s31;
	s1 =	sadd.s32 s1, s30  }
0xba: {  	s0 =	sor.u32 s3, s0;
	s1 =	sshll.u32 s1, $0x11  }
0xbb: {  	s0 =	sor.u32 s1, s0  }
0xbc: {  	s0 =	sadd.s32 $0x8F2B, s0  }
0xbd: {  	[sflag:s0] =	ssyncadd.remote.s32 $0x1  }
0xbe: {  	_ =	sfence.sel $0xFFFF  }
0xbf: {  	[dreg:$0x0] =	wrdreg $0xFFFFFFFF;
	(pc) =	sbr.abs _section_cstart, $3  }
0xc0: {  	[dreg:$0x1] =	wrdreg $0xFFFFFFFF  }
0xc1: {  	_ =	task.clear_ibuf [dreg:s6], $0x2FFFF;
	_ =	strace $0x9FFFFFFF  }
0xc2: {  	(tm) =	ssettm $0x7FFFFFFF  }
0xc3: {  	_ =	shalt  }
tec
execute0_lowered:
.L_overlay_start_1:
0x0: {  	(tag) =	ssettag $0x1  }
0x1: {  	s5 =	rddreg [dreg:$0x0]  }
0x2: {  	s2 =	rddreg [dreg:$0x1]  }
0x3: {  	s0 =	rddreg [dreg:$0x2];
	s3 =	simm.s32 $0x0  }
0x4: {  	s1 =	stileid.u32;
	s4 =	srdreg.scid;
	s11 =	simm.s32 $0x80  }
0x5: {  	s12 =	simm.s32 $0x300;
	s13 =	simm.s32 $0x400;
	s15 =	simm.s32 $0x500  }
0x6: {  	s16 =	simm.s32 $0x480;
	s17 =	simm.s32 $0x1;
	s18 =	simm.s32 $0x580  }
0x7: {  	s19 =	simm.s32 $0x0;
	[smem:$0x7FF] =	sst s3;
	s9 =	sand.u32 $0x1, s4  }
0x8: {  	s6 =	sshll.u32 s1, $0x1;
	s4 =	sadd.s32 $0x600, s5;
	s7 =	smul.u32 $0x60, s1  }
0x9: {  	s14 =	sshll.u32 s1, $0x7;
	_ =	strace $0x80000047;
	s6 =	sor.u32 s9, s6  }
0xa: {  	v1 =	vlaneseq.u32;
	s10 =	ssub.s32 $0x2, s9;
	p0 =	sne.s32 s9, $0x0;
	s9 =	simm.s32 $0x600  }
0xb: {  	v0 =	vmul.u32 $0x6, v1;
	v1 =	vor.u32 s14, v1;
	s14 =	simm.s32 $0x380;
	s8 =	sshll.u32 s6, $0x1;
	s6 =	smul.u32 $0x640, s6  }
0xc: {  	s7 =	sadd.s32 s7, s5;
	s31 =	sshrl.u32 s10, $0x1;
	s8 =	sadd.s32 s8, s5  }
0xd: {  	s10 =	ssub.s32 s10, s31;
	s5 =	sadd.s32 s4, s6;
	s6 =	sadd.s32 $0xCE00, s7  }
0xe: {  	v2 =	vimm.f32 $0.0e+00;
	v3 =	vor.u32 $0x1, v0;
	v4 =	vadd.s32 $0x2, v0;
	s7 =	sadd.s32 $0xD400, s8;
	s8 =	smax.u32 s10, $0x1;
	s10 =	simm.s32 $0x2  }
.LBB2_1:
.Ltmp0:
0xf: {  	(pc) =	sbr.rel @p0 .LBB2_5-.Ltmp0, $3  }
0x10: {  	_ =	sdelay $0x1  }
0x11: {  	[tilespmem:s9], [sflag:$0x1] =	stream.linear.gather [hbm4b:s5+s3], $0x3200, $0x38;
	[tilespmem:$0x9C08] =	vst v63  }
0x12: {  	[tilespmem:$0x580] =	vst v2  }
0x13: {  	s22 =	simm.s32 $0x0  }
0x14: {  	v5 =	vmov s22  }
0x15: {  	v5 =	vmul.u32 $0x6, v5;
	_ =	sdelay $0x1  }
0x16: {  	v6 =	vadd.s32 v4, v5  }
0x17: {  	[tilespmem:s22], [sflag:$0x2] =	stream.linear.gather [hbm4b:s6+s22], $0x300, $0x38;
	v7 =	vadd.s32 v3, v5;
	[tilespmem:$0x9C08] =	vst v63  }
0x18: {  	_ =	swait.ge [sflag:s10], $0x300;
	v5 =	vadd.s32 v0, v5  }
0x19: {  	[sflag:s10] =	ssyncset.done $0x0  }
0x1a: {  	[sflag:s10] =	ssyncadd.s32 $0xFFFFFD00  }
0x1b: {  	v6 =	vld.idx.msk [tilespmem:v6+s3+$0x0], $0xffff  }
0x1c: {  	v7 =	vld.idx.msk [tilespmem:v7+s3+$0x0], $0xffff  }
0x1d: {  	v5 =	vld.idx.msk [tilespmem:v5+s3+$0x0], $0xffff;
	_ =	sdelay $0x1  }
0x1e: {  	s23 =	simm.s32 $0x10  }
0x1f: {  	v8 =	vmov s23  }
0x20: {  	v8 =	vmul.u32 $0x6, v8;
	v6 =	vmul.f32 $1.600000000e+02, v6  }
0x21: {  	v7 =	vmul.f32 $1.600000000e+02, v7;
	v9 =	vtrunc.f32 v5  }
0x22: {  	s20 =	simm.s32 $0x300;
	v5 =	vadd.s32 v3, v8;
	v11 =	vcvt.f32.s32 v9;
	v10 =	vtrunc.f32 v6  }
0x23: {  	s21 =	simm.s32 $0x380;
	s24 =	simm.s32 $0x400;
	s28 =	simm.s32 $0x20;
	v6 =	vadd.s32 v4, v8;
	v12 =	vtrunc.f32 v7;
	v7 =	vadd.s32 v0, v8  }
0x24: {  	s25 =	simm.s32 $0x300;
	s26 =	simm.s32 $0x380;
	v8 =	vor.u32 s22, v1;
	s22 =	simm.s32 $0x410;
	v9 =	vcvt.f32.s32 v12;
	v10 =	vcvt.f32.s32 v10  }
.LBB2_3:
0x25: {  	s20 =	sadd.s32 $0x10, s20  }
0x26: {  	vm0 =	vlt.u32 v11, $0x10;
	vm1 =	vlt.u32 v9, $0xA0;
	v11 =	vmul.u32 $0x6400, v11;
	s21 =	sadd.s32 $0x10, s21;
	s29 =	smov.u32 s28;
	s30 =	sadd.s32 $0x10, s28  }
0x27: {  	p1 =	sne.s32 s28, $0x70;
	vm0 =	vmand vm0, vm1;
	vm1 =	vlt.u32 v10, $0xA0;
	v10 =	vmul.u32 $0xA0, v10  }
0x28: {  	vm0 =	vmand vm0, vm1;
	vm1 =	vlt.u32 v8, $0x7D0;
	v9 =	vadd.s32 v9, v11  }
0x29: {  	vm0 =	vmand vm1, vm0;
	v9 =	vadd.s32 v10, v9  }
0x2a: {  	v10 =	vnsel vm0, $0x64000, v9;
	v9 =	vnsel vm0, $0x0, v9  }
0x2b: {  	[tilespmem:s25+$0x0] =	vst v10;
	s25 =	smov.u32 s20  }
0x2c: {  	[tilespmem:s26+$0x0] =	vst v9;
	s26 =	smov.u32 s21  }
0x2d: {  	[tilespmem:s24+$0x0] =	vst v8;
	s24 =	smov.u32 s22  }
0x2e: {  	v6 =	vld.idx.msk [tilespmem:v6+s3+$0x0], $0xffff  }
0x2f: {  	v5 =	vld.idx.msk [tilespmem:v5+s3+$0x0], $0xffff  }
0x30: {  	v7 =	vld.idx.msk [tilespmem:v7+s3+$0x0], $0xffff;
	_ =	sdelay $0x3  }
0x31: {  	v8 =	vmov s29;
	v6 =	vmul.f32 $1.600000000e+02, v6  }
.Ltmp1:
0x32: {  	v8 =	vmul.u32 $0x6, v8;
	v9 =	vmul.f32 $1.600000000e+02, v5;
	(pc) =	sbr.rel @p1 .LBB2_3-.Ltmp1, $4  }
0x33: {  	v10 =	vtrunc.f32 v7;
	v12 =	vtrunc.f32 v6  }
0x34: {  	v5 =	vadd.s32 v3, v8;
	v6 =	vadd.s32 v4, v8;
	v9 =	vtrunc.f32 v9  }
0x35: {  	v7 =	vadd.s32 v0, v8;
	v11 =	vcvt.f32.s32 v10;
	v9 =	vcvt.f32.s32 v9  }
0x36: {  	s28 =	smov.u32 s30;
	s22 =	sadd.s32 $0x10, s22;
	v8 =	vor.u32 s23, v1;
	s23 =	smov.u32 s29;
	v10 =	vcvt.f32.s32 v12  }
0x37: {  	vm0 =	vlt.u32 v11, $0x10;
	vm1 =	vlt.u32 v9, $0xA0;
	v45 =	vmul.u32 $0x6400, v11  }
0x38: {  	vm0 =	vmand vm0, vm1;
	vm6 =	vlt.u32 v10, $0xA0;
	v46 =	vmul.u32 $0xA0, v10  }
0x39: {  	vm7 =	vlt.u32 v8, $0x7D0;
	vm0 =	vmand vm0, vm6;
	v47 =	vadd.s32 v9, v45  }
0x3a: {  	vm0 =	vmand vm7, vm0;
	v9 =	vadd.s32 v46, v47  }
0x3b: {  	v10 =	vnsel vm0, $0x64000, v9  }
0x3c: {  	v9 =	vnsel vm0, $0x0, v9;
	[tilespmem:s25+$0x0] =	vst v10  }
0x3d: {  	[tilespmem:s26+$0x0] =	vst v9  }
0x3e: {  	[tilespmem:s24+$0x0] =	vst v8  }
0x3f: {  	v6 =	vld.idx.msk [tilespmem:v6+s3+$0x0], $0xffff  }
0x40: {  	v5 =	vld.idx.msk [tilespmem:v5+s3+$0x0], $0xffff  }
0x41: {  	v7 =	vld.idx.msk [tilespmem:v7+s3+$0x0], $0xffff;
	_ =	sdelay $0x3  }
0x42: {  	v5 =	vmul.f32 $1.600000000e+02, v5  }
0x43: {  	v6 =	vmul.f32 $1.600000000e+02, v6;
	v7 =	vtrunc.f32 v7  }
0x44: {  	v7 =	vcvt.f32.s32 v7;
	v5 =	vtrunc.f32 v5  }
0x45: {  	v6 =	vtrunc.f32 v6;
	v5 =	vcvt.f32.s32 v5  }
0x46: {  	v48 =	vor.u32 s23, v1;
	v6 =	vcvt.f32.s32 v6  }
0x47: {  	vm8 =	vlt.u32 v7, $0x10;
	v7 =	vmul.u32 $0x6400, v7;
	vm9 =	vlt.u32 v5, $0xA0  }
0x48: {  	vm10 =	vlt.u32 v6, $0xA0;
	v6 =	vmul.u32 $0xA0, v6;
	vm0 =	vmand vm8, vm9  }
0x49: {  	vm11 =	vlt.u32 v48, $0x7D0;
	v5 =	vadd.s32 v5, v7;
	vm0 =	vmand vm0, vm10  }
0x4a: {  	v5 =	vadd.s32 v6, v5;
	vm0 =	vmand vm11, vm0  }
0x4b: {  	s20 =	sadd.s32 $0x10, s20;
	v6 =	vnsel vm0, $0x64000, v5  }
0x4c: {  	s21 =	sadd.s32 $0x10, s21;
	v5 =	vnsel vm0, $0x0, v5;
	[tilespmem:s20+$0x0] =	vst v6  }
0x4d: {  	[tilespmem:s21+$0x0] =	vst v5  }
0x4e: {  	[tilespmem:s22+$0x0] =	vst v48  }
0x4f: {  	[spmem:s2] =	stream.indirect.scatter [tilespmem:s13], [sflag:$0x2], $0x1, s12, s11, $0xb8;
	[tilespmem:$0x9C08] =	vst v63  }
0x50: {  	_ =	swait.ge [sflag:s10], $0x80  }
0x51: {  	[sflag:s10] =	ssyncset.done $0x0  }
0x52: {  	[sflag:s10] =	ssyncadd.s32 $0xFFFFFF80  }
0x53: {  	[tilespmem:s15], [sflag:$0x2] =	stream.indirect.gather [hbm4b:s4+s11], $0x1, s14, s11, $0xb8;
	[tilespmem:$0x9C08] =	vst v63  }
0x54: {  	_ =	swait.ge [sflag:s10], $0x80  }
0x55: {  	[sflag:s10] =	ssyncset.done $0x0  }
0x56: {  	[sflag:s10] =	ssyncadd.s32 $0xFFFFFF80  }
0x57: {  	[bflag:$0x0] =	sbarrier.arrive $0xFFFF  }
0x58: {  	[tilespmem:s16], [sflag:$0x2] =	stream.indirect.gather [spmem:s2], $0x1, s12, s11, $0xb8;
	[tilespmem:$0x9C08] =	vst v63  }
0x59: {  	_ =	swait.ge [sflag:s10], $0x80  }
0x5a: {  	[sflag:s10] =	ssyncset.done $0x0  }
0x5b: {  	[sflag:s10] =	ssyncadd.s32 $0xFFFFFF80  }
0x5c: {  	v5 =	vld [tilespmem:$0x480]  }
0x5d: {  	v6 =	vld [tilespmem:$0x400]  }
0x5e: {  	v7 =	vld [tilespmem:$0x300]  }
0x5f: {  	v49 =	vld [tilespmem:$0x500]  }
0x60: {  	v50 =	vld [tilespmem:$0x490]  }
0x61: {  	v51 =	vld [tilespmem:$0x410]  }
0x62: {  	v52 =	vld [tilespmem:$0x310]  }
0x63: {  	v12 =	vld [tilespmem:$0x510]  }
0x64: {  	v13 =	vld [tilespmem:$0x4A0]  }
0x65: {  	v14 =	vld [tilespmem:$0x420]  }
0x66: {  	v15 =	vld [tilespmem:$0x320]  }
0x67: {  	v16 =	vld [tilespmem:$0x520]  }
0x68: {  	v17 =	vld [tilespmem:$0x4B0]  }
0x69: {  	v18 =	vld [tilespmem:$0x430]  }
0x6a: {  	v19 =	vld [tilespmem:$0x330]  }
0x6b: {  	v20 =	vld [tilespmem:$0x530]  }
0x6c: {  	v21 =	vld [tilespmem:$0x4C0]  }
0x6d: {  	v22 =	vld [tilespmem:$0x440]  }
0x6e: {  	v23 =	vld [tilespmem:$0x340]  }
0x6f: {  	v24 =	vld [tilespmem:$0x540]  }
0x70: {  	v25 =	vld [tilespmem:$0x4D0]  }
0x71: {  	v26 =	vld [tilespmem:$0x450]  }
0x72: {  	v53 =	vld [tilespmem:$0x4E0];
	vm12 =	veq.s32 v5, v6;
	vm13 =	vne.s32 v7, $0x64000  }
0x73: {  	v55 =	vld [tilespmem:$0x460];
	v5 =	vadd.f32 $0.0e+00, v49;
	vm2 =	veq.s32 v50, v51;
	vm14 =	vne.s32 v52, $0x64000  }
0x74: {  	v56 =	vld [tilespmem:$0x360];
	vm4 =	veq.s32 v13, v14;
	vm0 =	vmand vm12, vm13;
	vm15 =	vmand vm2, vm14  }
0x75: {  	v58 =	vld [tilespmem:$0x560];
	vm5 =	vne.s32 v15, $0x64000;
	v5 =	vnsel vm0, $0x0, v5;
	v54 =	vnsel vm15, $0x0, v12  }
0x76: {  	v6 =	vld [tilespmem:$0x350];
	vm0 =	vmand vm4, vm5;
	v5 =	vadd.f32 v54, v5  }
0x77: {  	v59 =	vld [tilespmem:$0x4F0];
	vm6 =	veq.s32 v17, v18;
	vm7 =	vne.s32 v19, $0x64000;
	v57 =	vnsel vm0, $0x0, v16  }
0x78: {  	v7 =	vld [tilespmem:$0x550];
	vm0 =	vmand vm6, vm7;
	v5 =	vadd.f32 v57, v5  }
0x79: {  	v61 =	vld [tilespmem:$0x470];
	vm8 =	veq.s32 v21, v22;
	vm9 =	vne.s32 v23, $0x64000;
	v60 =	vnsel vm0, $0x0, v20  }
0x7a: {  	v62 =	vld [tilespmem:$0x370];
	vm0 =	vmand vm8, vm9;
	v5 =	vadd.f32 v60, v5  }
0x7b: {  	vm10 =	veq.s32 v25, v26;
	v63 =	vnsel vm0, $0x0, v24;
	vm11 =	vne.s32 v6, $0x64000  }
0x7c: {  	v6 =	vld [tilespmem:$0x570];
	vm0 =	vmand vm10, vm11;
	v5 =	vadd.f32 v63, v5  }
0x7d: {  	vm12 =	veq.s32 v53, v55;
	vm13 =	vne.s32 v56, $0x64000;
	v7 =	vnsel vm0, $0x0, v7  }
0x7e: {  	vm0 =	vmand vm12, vm13;
	v5 =	vadd.f32 v7, v5  }
0x7f: {  	vm14 =	veq.s32 v59, v61;
	vm15 =	vne.s32 v62, $0x64000;
	v7 =	vnsel vm0, $0x0, v58  }
0x80: {  	vm0 =	vmand vm14, vm15;
	v5 =	vadd.f32 v7, v5  }
0x81: {  	v6 =	vnsel vm0, $0x0, v6  }
0x82: {  	v5 =	vadd.f32 v6, v5;
	_ =	sdelay $0x1  }
0x83: {  	[tilespmem:$0x580] =	vst v5  }
.LBB2_5:
0x84: {  	_ =	swait.ge [sflag:s17], $0x3200  }
0x85: {  	[sflag:s17] =	ssyncset.done $0x0  }
0x86: {  	s20 =	simm.s32 $0x0;
	[sflag:s17] =	ssyncadd.s32 $0xFFFFCE00  }
0x87: {  	v9 =	vld [tilespmem:s20+$0x670]  }
0x88: {  	v10 =	vld [tilespmem:s20+$0x660]  }
0x89: {  	v12 =	vld [tilespmem:s20+$0x650]  }
0x8a: {  	v17 =	vld [tilespmem:s20+$0x640]  }
0x8b: {  	v21 =	vld [tilespmem:s20+$0x630]  }
0x8c: {  	v23 =	vld [tilespmem:s20+$0x610]  }
0x8d: {  	v24 =	vld [tilespmem:s20+$0x620];
	v5 =	vand.u32 $0x7FFFFFFF, v9  }
0x8e: {  	v6 =	vand.u32 $0x7FFFFFFF, v10;
	v5 =	vsub.f32 $0.0e+00, v5  }
0x8f: {  	v25 =	vld [tilespmem:s20+$0x600];
	v7 =	vand.u32 $0x7FFFFFFF, v12;
	v8 =	vand.u32 $0x7FFFFFFF, v17;
	v6 =	vsub.f32 $0.0e+00, v6  }
0x90: {  	v11 =	vand.u32 $0x7FFFFFFF, v21;
	v7 =	vsub.f32 $0.0e+00, v7;
	v5 =	vmul.f32 $1.442695020e+00, v5  }
0x91: {  	v13 =	vand.u32 $0x7FFFFFFF, v23;
	v8 =	vsub.f32 $0.0e+00, v8;
	v6 =	vmul.f32 $1.442695020e+00, v6  }
0x92: {  	v14 =	vand.u32 $0x7FFFFFFF, v24;
	v7 =	vmul.f32 $1.442695020e+00, v7;
	(erf) = vpow2.f32 v5  }
0x93: {  	v11 =	vsub.f32 $0.0e+00, v11;
	v8 =	vmul.f32 $1.442695020e+00, v8;
	(erf) = vpow2.f32 v6  }
0x94: {  	v15 =	vand.u32 $0x7FFFFFFF, v25;
	v5 =	vsub.f32 $0.0e+00, v14;
	(erf) = vpow2.f32 v7  }
0x95: {  	s31 =	simm.s32 $0x80;
	v11 =	vmul.f32 $1.442695020e+00, v11;
	v6 =	vsub.f32 $0.0e+00, v13;
	(erf) = vpow2.f32 v8  }
0x96: {  	v14 =	vmax.f32 v10, $0.0e+00;
	v10 =	vld [tilespmem:s31+$0x620];
	v7 =	vsub.f32 $0.0e+00, v15;
	v5 =	vmul.f32 $1.442695020e+00, v5  }
0x97: {  	v15 =	vmax.f32 v12, $0.0e+00;
	v12 =	vld [tilespmem:s31+$0x610];
	v6 =	vmul.f32 $1.442695020e+00, v6;
	(erf) = vpow2.f32 v11  }
0x98: {  	(erf) = vpow2.f32 v5;
	v5 =	vld [tilespmem:s31+$0x670]  }
0x99: {  	v7 =	vmul.f32 $1.442695020e+00, v7;
	v11 =	vmax.f32 v9, $0.0e+00;
	v9 =	vld [tilespmem:s31+$0x630];
	(erf) = vpow2.f32 v6;
	_ =	sdelay $0x1  }
0x9a: {  	v38 =	vand.u32 $0x7FFFFFFF, v10;
	v6 =	vld [tilespmem:s31+$0x660];
	(erf) = vpow2.f32 v7;
	v26 =	vpop (erf)  }
0x9b: {  	v56 =	vsub.f32 $0.0e+00, v38;
	v7 =	vld [tilespmem:s31+$0x650];
	v27 =	vpop (erf);
	v13 =	vadd.f32 $2.000000000e+00, v26  }
0x9c: {  	v54 =	vand.u32 $0x7FFFFFFF, v12;
	v19 =	vand.u32 $0x7FFFFFFF, v5;
	v28 =	vpop (erf);
	v16 =	vadd.f32 $2.000000000e+00, v27  }
0x9d: {  	v8 =	vld [tilespmem:s31+$0x640];
	v53 =	vand.u32 $0x7FFFFFFF, v9;
	v19 =	vsub.f32 $0.0e+00, v19;
	v29 =	vpop (erf);
	(erf) = vrcp.f32 v13  }
0x9e: {  	v18 =	vadd.f32 $2.000000000e+00, v28;
	v22 =	vadd.f32 $2.000000000e+00, v29;
	(erf) = vrcp.f32 v16  }
0x9f: {  	v30 =	vpop (erf);
	v16 =	vand.u32 $0x7FFFFFFF, v6;
	v57 =	vmul.f32 $1.442695020e+00, v19;
	v19 =	vsub.f32 $0.0e+00, v54  }
0xa0: {  	v13 =	vld [tilespmem:s31+$0x600];
	v31 =	vpop (erf);
	v32 =	vadd.f32 $2.000000000e+00, v30;
	(erf) = vrcp.f32 v18;
	v18 =	vand.u32 $0x7FFFFFFF, v7  }
0xa1: {  	v16 =	vsub.f32 $0.0e+00, v16;
	v33 =	vadd.f32 $2.000000000e+00, v31;
	v34 =	vpop (erf);
	(erf) = vrcp.f32 v22  }
0xa2: {  	v22 =	vand.u32 $0x7FFFFFFF, v8;
	v35 =	vadd.f32 $2.000000000e+00, v34;
	(erf) = vrcp.f32 v32  }
0xa3: {  	v18 =	vsub.f32 $0.0e+00, v18;
	v36 =	vpop (erf);
	v22 =	vsub.f32 $0.0e+00, v22;
	(erf) = vrcp.f32 v33  }
0xa4: {  	v32 =	vsub.f32 $0.0e+00, v53;
	v37 =	vadd.f32 $2.000000000e+00, v36;
	(erf) = vrcp.f32 v35  }
0xa5: {  	v41 =	vmul.f32 $1.442695020e+00, v16;
	v16 =	vmul.f32 $1.442695020e+00, v19;
	v55 =	vand.u32 $0x7FFFFFFF, v13  }
0xa6: {  	v19 =	vmul.f32 $1.442695020e+00, v56;
	v35 =	vsub.f32 $0.0e+00, v55;
	(erf) = vrcp.f32 v37  }
0xa7: {  	v40 =	vmul.f32 $1.442695020e+00, v18;
	v18 =	vmul.f32 $1.442695020e+00, v32;
	v39 =	vpop (erf)  }
0xa8: {  	v42 =	vmul.f32 $1.442695020e+00, v22;
	v22 =	vmax.f32 v17, $0.0e+00;
	v17 =	vmul.f32 $1.442695020e+00, v35;
	v58 =	vpop (erf)  }
0xa9: {  	v38 =	vmax.f32 v24, $0.0e+00;
	(erf) = vpow2.f32 v57;
	v59 =	vpop (erf);
	v24 =	vmul.f32 v58, v27  }
0xaa: {  	v20 =	vimm.f32 $0.0e+00;
	v26 =	vmul.f32 v39, v26;
	v60 =	vpop (erf);
	v28 =	vmul.f32 v59, v28  }
0xab: {  	v35 =	vmax.f32 v21, $0.0e+00;
	v21 =	vpop (erf);
	v29 =	vmul.f32 v60, v29;
	v33 =	vmul.f32 v24, v24  }
0xac: {  	v25 =	vmax.f32 v25, $0.0e+00;
	v27 =	vpop (erf);
	v30 =	vmul.f32 v21, v30;
	v62 =	vmul.f32 v28, v28  }
0xad: {  	v39 =	vmax.f32 v23, $0.0e+00;
	v23 =	vpop (erf);
	v27 =	vmul.f32 v27, v31;
	v45 =	vmul.f32 $1.111111120e-01, v33  }
0xae: {  	v61 =	vmul.f32 v23, v34;
	v23 =	vadd.f32 v24, v24;
	v34 =	vmul.f32 v29, v29  }
0xaf: {  	v21 =	vpop (erf);
	v24 =	vadd.f32 v28, v28;
	v63 =	vmul.f32 v30, v30;
	v29 =	vadd.f32 v29, v29  }
0xb0: {  	v30 =	vadd.f32 v30, v30;
	v48 =	vmul.f32 $1.111111120e-01, v62;
	v31 =	vmul.f32 v21, v36  }
0xb1: {  	v21 =	vadd.f32 v26, v26;
	v26 =	vmul.f32 v26, v26;
	v28 =	vmul.f32 v27, v27  }
0xb2: {  	v27 =	vadd.f32 v27, v27;
	v45 =	vadd.f32 $1.428571490e-01, v45;
	v44 =	vmul.f32 v61, v61  }
0xb3: {  	v47 =	vadd.f32 v61, v61;
	v56 =	vmul.f32 $1.111111120e-01, v34;
	v43 =	vmul.f32 v31, v31  }
0xb4: {  	v50 =	vmul.f32 $1.111111120e-01, v63;
	v48 =	vadd.f32 $1.428571490e-01, v48;
	v46 =	vmul.f32 $1.111111120e-01, v26  }
0xb5: {  	v31 =	vadd.f32 v31, v31;
	v49 =	vmul.f32 $1.111111120e-01, v28;
	v51 =	vmul.f32 $1.111111120e-01, v43  }
0xb6: {  	v45 =	vmul.f32 v45, v33;
	v32 =	vadd.f32 $1.428571490e-01, v56;
	v50 =	vadd.f32 $1.428571490e-01, v50  }
0xb7: {  	v52 =	vmul.f32 $1.111111120e-01, v44;
	v46 =	vadd.f32 $1.428571490e-01, v46;
	v51 =	vadd.f32 $1.428571490e-01, v51  }
0xb8: {  	v48 =	vmul.f32 v48, v62;
	v49 =	vadd.f32 $1.428571490e-01, v49;
	v45 =	vadd.f32 $2.000000030e-01, v45  }
0xb9: {  	v52 =	vadd.f32 $1.428571490e-01, v52;
	v32 =	vmul.f32 v32, v34;
	v51 =	vmul.f32 v51, v43  }
0xba: {  	v50 =	vmul.f32 v50, v63;
	v48 =	vadd.f32 $2.000000030e-01, v48;
	v46 =	vmul.f32 v46, v26  }
0xbb: {  	v49 =	vmul.f32 v49, v28;
	v52 =	vmul.f32 v52, v44;
	v51 =	vadd.f32 $2.000000030e-01, v51  }
0xbc: {  	v45 =	vmul.f32 v45, v33;
	v50 =	vadd.f32 $2.000000030e-01, v50;
	v32 =	vadd.f32 $2.000000030e-01, v32  }
0xbd: {  	v46 =	vadd.f32 $2.000000030e-01, v46;
	v52 =	vadd.f32 $2.000000030e-01, v52;
	v51 =	vmul.f32 v51, v43  }
0xbe: {  	v48 =	vmul.f32 v48, v62;
	v49 =	vadd.f32 $2.000000030e-01, v49;
	v45 =	vadd.f32 $3.333333430e-01, v45  }
0xbf: {  	v32 =	vmul.f32 v32, v34;
	v52 =	vmul.f32 v52, v44;
	v51 =	vadd.f32 $3.333333430e-01, v51  }
0xc0: {  	v48 =	vadd.f32 $3.333333430e-01, v48;
	v50 =	vmul.f32 v50, v63;
	v49 =	vmul.f32 v49, v28  }
0xc1: {  	v46 =	vmul.f32 v46, v26;
	v57 =	vadd.f32 $3.333333430e-01, v52;
	v43 =	vmul.f32 v51, v43  }
0xc2: {  	v33 =	vmul.f32 v45, v33;
	v58 =	vadd.f32 $3.333333430e-01, v32;
	v49 =	vadd.f32 $3.333333430e-01, v49  }
0xc3: {  	v46 =	vadd.f32 $3.333333430e-01, v46;
	v60 =	vmul.f32 v57, v44;
	v59 =	vadd.f32 $1.000000000e+00, v43  }
0xc4: {  	v61 =	vadd.f32 $3.333333430e-01, v50;
	v36 =	vmul.f32 v48, v62;
	v28 =	vmul.f32 v49, v28  }
0xc5: {  	v26 =	vmul.f32 v46, v26;
	v43 =	vadd.f32 $1.000000000e+00, v60;
	v31 =	vmul.f32 v59, v31  }
0xc6: {  	v33 =	vadd.f32 $1.000000000e+00, v33;
	v37 =	vmul.f32 v61, v63;
	v28 =	vadd.f32 $1.000000000e+00, v28  }
0xc7: {  	v32 =	vadd.f32 $1.000000000e+00, v26;
	v26 =	vmul.f32 v43, v47;
	v25 =	vadd.f32 v31, v25  }
0xc8: {  	v62 =	vmul.f32 v58, v34;
	v34 =	vadd.f32 $1.000000000e+00, v36;
	v27 =	vmul.f32 v28, v27  }
0xc9: {  	v31 =	vadd.f32 $1.000000000e+00, v37;
	v26 =	vadd.f32 v26, v39;
	v25 =	vmin.f32 v25, $1.000000000e+02  }
0xca: {  	(erf) = vpow2.f32 v41;
	v28 =	vadd.f32 $1.000000000e+00, v62;
	v25 =	vsub.f32 $0.0e+00, v25  }
0xcb: {  	v27 =	vadd.f32 v27, v38;
	v26 =	vmin.f32 v26, $1.000000000e+02;
	v30 =	vmul.f32 v31, v30  }
0xcc: {  	(erf) = vpow2.f32 v40;
	v26 =	vsub.f32 $0.0e+00, v26;
	v31 =	vadd.f32 v25, v20  }
0xcd: {  	v63 =	vmin.f32 v27, $1.000000000e+02;
	v27 =	vadd.f32 v30, v35;
	v25 =	vmul.f32 v28, v29  }
0xce: {  	s20 =	simm.s32 $0x400;
	v20 =	vpop (erf);
	(erf) = vpow2.f32 v42;
	v28 =	vsub.f32 $0.0e+00, v63;
	v26 =	vadd.f32 v26, v31  }
.LBB2_6:
0xcf: {  	p1 =	sne.s32 s20, $0xC600;
	v27 =	vmin.f32 v27, $1.000000000e+02;
	v22 =	vadd.f32 v25, v22;
	v24 =	vmul.f32 v34, v24  }
0xd0: {  	(erf) = vpow2.f32 v18;
	v18 =	vadd.f32 v28, v26;
	v25 =	vsub.f32 $0.0e+00, v27  }
0xd1: {  	v23 =	vmul.f32 v33, v23;
	v22 =	vmin.f32 v22, $1.000000000e+02;
	v15 =	vadd.f32 v24, v15  }
0xd2: {  	(erf) = vpow2.f32 v19;
	v18 =	vadd.f32 v25, v18;
	v19 =	vsub.f32 $0.0e+00, v22  }
0xd3: {  	v21 =	vmul.f32 v32, v21;
	v14 =	vadd.f32 v23, v14;
	v24 =	vpop (erf);
	v15 =	vmin.f32 v15, $1.000000000e+02  }
0xd4: {  	s21 =	sshra.s32 s20, $0x2;
	(erf) = vpow2.f32 v16;
	v16 =	vadd.f32 v19, v18;
	v15 =	vsub.f32 $0.0e+00, v15  }
0xd5: {  	v11 =	vadd.f32 v21, v11;
	v14 =	vmin.f32 v14, $1.000000000e+02;
	v18 =	vld [tilespmem:s21+$0x670];
	(erf) = vpow2.f32 v17;
	v23 =	vpop (erf)  }
0xd6: {  	v14 =	vsub.f32 $0.0e+00, v14;
	v17 =	vld [tilespmem:s21+$0x660];
	v15 =	vadd.f32 v15, v16  }
0xd7: {  	v22 =	vmin.f32 v11, $1.000000000e+02;
	v19 =	vadd.f32 $2.000000000e+00, v20;
	v16 =	vld [tilespmem:s21+$0x650];
	v21 =	vpop (erf)  }
0xd8: {  	v11 =	vmax.f32 v5, $0.0e+00;
	v22 =	vsub.f32 $0.0e+00, v22;
	v32 =	vld [tilespmem:s21+$0x640];
	v26 =	vadd.f32 v14, v15  }
0xd9: {  	v28 =	vadd.f32 $2.000000000e+00, v24;
	v15 =	vmax.f32 v7, $0.0e+00;
	v14 =	vmax.f32 v6, $0.0e+00;
	v33 =	vld [tilespmem:s21+$0x630];
	v34 =	vpop (erf)  }
0xda: {  	v27 =	vadd.f32 $2.000000000e+00, v23;
	v35 =	vld [tilespmem:s21+$0x620];
	(erf) = vrcp.f32 v19;
	v25 =	vadd.f32 v22, v26;
	v5 =	vmovc v18  }
0xdb: {  	v19 =	vadd.f32 $2.000000000e+00, v21;
	v36 =	vld [tilespmem:s21+$0x610];
	v18 =	vand.u32 $0x7FFFFFFF, v5;
	v37 =	vpop (erf);
	(erf) = vrcp.f32 v28  }
0xdc: {  	v26 =	vadd.f32 $2.000000000e+00, v34;
	v22 =	vand.u32 $0x7FFFFFFF, v17;
	v6 =	vmovc v17;
	(erf) = vrcp.f32 v27;
	v7 =	vmovc v16  }
0xdd: {  	v17 =	vadd.f32 $2.000000000e+00, v37;
	v38 =	vld [tilespmem:s21+$0x600];
	v16 =	vand.u32 $0x7FFFFFFF, v7;
	v39 =	vpop (erf);
	(erf) = vrcp.f32 v19  }
0xde: {  	v19 =	vand.u32 $0x7FFFFFFF, v32;
	v27 =	vadd.f32 $2.000000000e+00, v39;
	v40 =	vpop (erf);
	(erf) = vrcp.f32 v26  }
0xdf: {  	v26 =	vand.u32 $0x7FFFFFFF, v33;
	v28 =	vadd.f32 $2.000000000e+00, v40;
	(erf) = vrcp.f32 v17  }
0xe0: {  	v29 =	vand.u32 $0x7FFFFFFF, v35;
	v17 =	vand.u32 $0x7FFFFFFF, v36;
	(erf) = vrcp.f32 v27  }
0xe1: {  	v22 =	vsub.f32 $0.0e+00, v22;
	v18 =	vsub.f32 $0.0e+00, v18;
	(erf) = vrcp.f32 v28  }
0xe2: {  	v19 =	vsub.f32 $0.0e+00, v19;
	v16 =	vsub.f32 $0.0e+00, v16;
	v30 =	vand.u32 $0x7FFFFFFF, v38  }
0xe3: {  	v31 =	vmul.f32 $1.442695020e+00, v18;
	v26 =	vsub.f32 $0.0e+00, v26;
	v29 =	vsub.f32 $0.0e+00, v29;
	v41 =	vpop (erf)  }
0xe4: {  	v27 =	vmul.f32 $1.442695020e+00, v16;
	v17 =	vsub.f32 $0.0e+00, v17;
	v28 =	vmul.f32 $1.442695020e+00, v22;
	v42 =	vpop (erf)  }
0xe5: {  	v18 =	vmul.f32 $1.442695020e+00, v26;
	v26 =	vmul.f32 $1.442695020e+00, v19;
	v30 =	vsub.f32 $0.0e+00, v30;
	v43 =	vpop (erf)  }
0xe6: {  	v22 =	vmax.f32 v8, $0.0e+00;
	v19 =	vmul.f32 $1.442695020e+00, v29;
	v16 =	vmul.f32 $1.442695020e+00, v17;
	v8 =	vpop (erf)  }
0xe7: {  	v29 =	vmax.f32 v9, $0.0e+00;
	v17 =	vmul.f32 $1.442695020e+00, v30;
	(erf) = vpow2.f32 v31;
	v9 =	vpop (erf)  }
0xe8: {  	v20 =	vmul.f32 v41, v20;
	v30 =	vmax.f32 v10, $0.0e+00;
	v10 =	vmul.f32 v42, v24;
	v24 =	vpop (erf)  }
0xe9: {  	v41 =	vmul.f32 v43, v23;
	v31 =	vmax.f32 v12, $0.0e+00;
	v12 =	vmul.f32 v8, v21;
	v8 =	vpop (erf)  }
0xea: {  	v42 =	vmax.f32 v13, $0.0e+00;
	v13 =	vmul.f32 v9, v34;
	v37 =	vmul.f32 v24, v37;
	v9 =	vpop (erf)  }
0xeb: {  	v21 =	vadd.f32 v20, v20;
	v39 =	vmul.f32 v8, v39;
	v8 =	vmovc v32;
	v34 =	vmul.f32 v9, v40  }
0xec: {  	v23 =	vadd.f32 v10, v10;
	v32 =	vmul.f32 v10, v10;
	v40 =	vmul.f32 v20, v20;
	v9 =	vmovc v33  }
0xed: {  	v43 =	vmul.f32 v12, v12;
	v24 =	vadd.f32 v41, v41;
	v10 =	vmovc v35;
	v33 =	vmul.f32 v41, v41  }
0xee: {  	v44 =	vadd.f32 v12, v12;
	v35 =	vmul.f32 v37, v37;
	v41 =	vmul.f32 v13, v13;
	v12 =	vmovc v36  }
0xef: {  	v46 =	vadd.f32 v13, v13;
	v45 =	vmul.f32 v39, v39;
	v13 =	vmovc v38;
	v36 =	vmul.f32 v34, v34  }
0xf0: {  	v37 =	vadd.f32 v37, v37;
	v38 =	vmul.f32 $1.111111120e-01, v32;
	v47 =	vmul.f32 $1.111111120e-01, v40;
	v20 =	vpop (erf)  }
0xf1: {  	v48 =	vmul.f32 $1.111111120e-01, v43;
	v39 =	vadd.f32 v39, v39;
	v49 =	vmul.f32 $1.111111120e-01, v33  }
0xf2: {  	v34 =	vadd.f32 v34, v34;
	v50 =	vmul.f32 $1.111111120e-01, v35;
	v51 =	vmul.f32 $1.111111120e-01, v41  }
0xf3: {  	v38 =	vadd.f32 $1.428571490e-01, v38;
	v52 =	vmul.f32 $1.111111120e-01, v36;
	v47 =	vadd.f32 $1.428571490e-01, v47  }
0xf4: {  	v48 =	vadd.f32 $1.428571490e-01, v48;
	v53 =	vmul.f32 $1.111111120e-01, v45;
	v49 =	vadd.f32 $1.428571490e-01, v49  }
0xf5: {  	v51 =	vadd.f32 $1.428571490e-01, v51;
	v52 =	vadd.f32 $1.428571490e-01, v52;
	v47 =	vmul.f32 v47, v40  }
0xf6: {  	v50 =	vadd.f32 $1.428571490e-01, v50;
	v38 =	vmul.f32 v38, v32;
	v49 =	vmul.f32 v49, v33  }
0xf7: {  	v48 =	vmul.f32 v48, v43;
	v53 =	vadd.f32 $1.428571490e-01, v53;
	v52 =	vmul.f32 v52, v36  }
0xf8: {  	v51 =	vmul.f32 v51, v41;
	v38 =	vadd.f32 $2.000000030e-01, v38;
	v47 =	vadd.f32 $2.000000030e-01, v47  }
0xf9: {  	v53 =	vmul.f32 v53, v45;
	v49 =	vadd.f32 $2.000000030e-01, v49;
	v52 =	vadd.f32 $2.000000030e-01, v52  }
0xfa: {  	v50 =	vmul.f32 v50, v35;
	v48 =	vadd.f32 $2.000000030e-01, v48;
	v51 =	vadd.f32 $2.000000030e-01, v51  }
0xfb: {  	v53 =	vadd.f32 $2.000000030e-01, v53;
	v47 =	vmul.f32 v47, v40;
	v52 =	vmul.f32 v52, v36  }
0xfc: {  	v50 =	vadd.f32 $2.000000030e-01, v50;
	v38 =	vmul.f32 v38, v32;
	v49 =	vmul.f32 v49, v33  }
0xfd: {  	v48 =	vmul.f32 v48, v43;
	v53 =	vmul.f32 v53, v45;
	v52 =	vadd.f32 $3.333333430e-01, v52  }
0xfe: {  	v50 =	vmul.f32 v50, v35;
	v38 =	vadd.f32 $3.333333430e-01, v38;
	v47 =	vadd.f32 $3.333333430e-01, v47  }
0xff: {  	v49 =	vadd.f32 $3.333333430e-01, v49;
	v36 =	vmul.f32 v52, v36;
	v52 =	vadd.f32 $3.333333430e-01, v53  }
0x100: {  	v51 =	vmul.f32 v51, v41;
	v48 =	vadd.f32 $3.333333430e-01, v48;
	v50 =	vadd.f32 $3.333333430e-01, v50  }
0x101: {  	v40 =	vmul.f32 v47, v40;
	v36 =	vadd.f32 $1.000000000e+00, v36;
	v45 =	vmul.f32 v52, v45  }
0x102: {  	v32 =	vmul.f32 v38, v32;
	v47 =	vadd.f32 $3.333333430e-01, v51;
	v49 =	vmul.f32 v49, v33  }
0x103: {  	v35 =	vmul.f32 v50, v35;
	v34 =	vmul.f32 v36, v34;
	v36 =	vadd.f32 $1.000000000e+00, v45  }
0x104: {  	v33 =	vadd.f32 $1.000000000e+00, v32;
	v38 =	vmul.f32 v47, v41;
	v32 =	vadd.f32 $1.000000000e+00, v40  }
0x105: {  	v35 =	vadd.f32 $1.000000000e+00, v35;
	v40 =	vadd.f32 v34, v42;
	v36 =	vmul.f32 v36, v39  }
0x106: {  	v38 =	vadd.f32 $1.000000000e+00, v38;
	v39 =	vmul.f32 v48, v43;
	v34 =	vadd.f32 $1.000000000e+00, v49  }
0x107: {  	v35 =	vmul.f32 v35, v37;
	v40 =	vmin.f32 v40, $1.000000000e+02;
	v31 =	vadd.f32 v36, v31  }
.Ltmp2:
0x108: {  	v36 =	vadd.f32 $1.000000000e+00, v39;
	(erf) = vpow2.f32 v28;
	v28 =	vsub.f32 $0.0e+00, v40;
	(pc) =	sbr.rel @p1 .LBB2_6-.Ltmp2, $4  }
0x109: {  	v30 =	vadd.f32 v35, v30;
	v35 =	vmul.f32 v38, v46;
	v31 =	vmin.f32 v31, $1.000000000e+02  }
0x10a: {  	v31 =	vsub.f32 $0.0e+00, v31;
	(erf) = vpow2.f32 v27;
	v28 =	vadd.f32 v28, v25  }
0x10b: {  	v30 =	vmin.f32 v30, $1.000000000e+02;
	v27 =	vadd.f32 v35, v29;
	v25 =	vmul.f32 v36, v44  }
0x10c: {  	s20 =	sadd.s32 $0x200, s20;
	(erf) = vpow2.f32 v26;
	v26 =	vadd.f32 v31, v28;
	v28 =	vsub.f32 $0.0e+00, v30  }
0x10d: {  	(erf) = vpow2.f32 v18  }
0x10e: {  	(erf) = vpow2.f32 v19;
	_ =	sdelay $0x1  }
0x10f: {  	(erf) = vpow2.f32 v16  }
0x110: {  	(erf) = vpow2.f32 v17;
	_ =	sdelay $0x1  }
0x111: {  	v37 =	vmin.f32 v27, $1.000000000e+02;
	v39 =	vadd.f32 $2.000000000e+00, v20;
	v40 =	vadd.f32 v25, v22;
	v38 =	vpop (erf)  }
0x112: {  	v41 =	vmul.f32 v34, v24;
	v23 =	vmul.f32 v33, v23;
	v43 =	vadd.f32 $2.000000000e+00, v38;
	v42 =	vpop (erf)  }
0x113: {  	v21 =	vmul.f32 v32, v21;
	v45 =	vadd.f32 $2.000000000e+00, v42;
	v44 =	vpop (erf);
	(erf) = vrcp.f32 v39  }
0x114: {  	v26 =	vadd.f32 v28, v26;
	v46 =	vpop (erf);
	v29 =	vadd.f32 $2.000000000e+00, v44;
	(erf) = vrcp.f32 v43  }
0x115: {  	v16 =	vsub.f32 $0.0e+00, v37;
	v47 =	vpop (erf);
	v30 =	vadd.f32 $2.000000000e+00, v46;
	(erf) = vrcp.f32 v45  }
0x116: {  	v19 =	vmin.f32 v40, $1.000000000e+02;
	v48 =	vadd.f32 $2.000000000e+00, v47;
	(erf) = vrcp.f32 v29  }
0x117: {  	v15 =	vadd.f32 v41, v15;
	v19 =	vsub.f32 $0.0e+00, v19;
	v49 =	vpop (erf);
	(erf) = vrcp.f32 v30  }
0x118: {  	v16 =	vadd.f32 v16, v26;
	v50 =	vadd.f32 $2.000000000e+00, v49;
	v31 =	vpop (erf);
	(erf) = vrcp.f32 v48  }
0x119: {  	v14 =	vadd.f32 v23, v14;
	v15 =	vmin.f32 v15, $1.000000000e+02;
	v51 =	vadd.f32 $2.000000000e+00, v31  }
0x11a: {  	v15 =	vsub.f32 $0.0e+00, v15;
	v16 =	vadd.f32 v19, v16;
	(erf) = vrcp.f32 v50  }
0x11b: {  	v11 =	vadd.f32 v21, v11;
	v14 =	vmin.f32 v14, $1.000000000e+02;
	(erf) = vrcp.f32 v51  }
0x11c: {  	v14 =	vsub.f32 $0.0e+00, v14;
	v15 =	vadd.f32 v15, v16;
	v52 =	vpop (erf)  }
0x11d: {  	v12 =	vmax.f32 v12, $0.0e+00;
	v11 =	vmin.f32 v11, $1.000000000e+02;
	v53 =	vpop (erf);
	v58 =	vmul.f32 v52, v20  }
0x11e: {  	v11 =	vsub.f32 $0.0e+00, v11;
	v14 =	vadd.f32 v14, v15;
	v54 =	vpop (erf);
	v57 =	vmul.f32 v53, v38  }
0x11f: {  	v13 =	vmax.f32 v13, $0.0e+00;
	v55 =	vpop (erf);
	v60 =	vmul.f32 v54, v42;
	v16 =	vmul.f32 v58, v58  }
0x120: {  	v11 =	vadd.f32 v11, v14;
	v56 =	vpop (erf);
	v15 =	vmul.f32 v55, v44;
	v40 =	vmul.f32 v57, v57  }
0x121: {  	v63 =	vadd.f32 v58, v58;
	v59 =	vpop (erf);
	v18 =	vmul.f32 v56, v46;
	v42 =	vmul.f32 v60, v60  }
0x122: {  	v14 =	vadd.f32 v57, v57;
	v48 =	vmul.f32 $1.111111120e-01, v16;
	v17 =	vmul.f32 v59, v47  }
0x123: {  	v19 =	vadd.f32 v60, v60;
	v61 =	vpop (erf);
	v41 =	vmul.f32 v15, v15;
	v47 =	vmul.f32 $1.111111120e-01, v40  }
0x124: {  	v15 =	vadd.f32 v15, v15;
	v62 =	vpop (erf);
	v20 =	vmul.f32 v61, v49;
	v44 =	vmul.f32 v18, v18  }
0x125: {  	v18 =	vadd.f32 v18, v18;
	v50 =	vmul.f32 $1.111111120e-01, v42;
	v21 =	vmul.f32 v62, v31  }
0x126: {  	v43 =	vmul.f32 v17, v17;
	v17 =	vadd.f32 v17, v17;
	v49 =	vmul.f32 $1.111111120e-01, v41  }
0x127: {  	v30 =	vadd.f32 $1.428571490e-01, v47;
	v31 =	vadd.f32 $1.428571490e-01, v48;
	v45 =	vmul.f32 v21, v21  }
0x128: {  	v46 =	vmul.f32 v20, v20;
	v20 =	vadd.f32 v20, v20;
	v35 =	vmul.f32 $1.111111120e-01, v44  }
0x129: {  	v33 =	vadd.f32 $1.428571490e-01, v50;
	v21 =	vadd.f32 v21, v21;
	v36 =	vmul.f32 $1.111111120e-01, v45  }
0x12a: {  	v51 =	vmul.f32 $1.111111120e-01, v43;
	v32 =	vadd.f32 $1.428571490e-01, v49;
	v31 =	vmul.f32 v31, v16  }
0x12b: {  	v30 =	vmul.f32 v30, v40;
	v37 =	vmul.f32 $1.111111120e-01, v46;
	v36 =	vadd.f32 $1.428571490e-01, v36  }
0x12c: {  	v35 =	vadd.f32 $1.428571490e-01, v35;
	v33 =	vmul.f32 v33, v42;
	v34 =	vadd.f32 $1.428571490e-01, v51  }
0x12d: {  	v32 =	vmul.f32 v32, v41;
	v37 =	vadd.f32 $1.428571490e-01, v37;
	v36 =	vmul.f32 v36, v45  }
0x12e: {  	v30 =	vadd.f32 $2.000000030e-01, v30;
	v31 =	vadd.f32 $2.000000030e-01, v31;
	v35 =	vmul.f32 v35, v44  }
0x12f: {  	v33 =	vadd.f32 $2.000000030e-01, v33;
	v37 =	vmul.f32 v37, v46;
	v36 =	vadd.f32 $2.000000030e-01, v36  }
0x130: {  	v34 =	vmul.f32 v34, v43;
	v32 =	vadd.f32 $2.000000030e-01, v32;
	v31 =	vmul.f32 v31, v16  }
0x131: {  	v30 =	vmul.f32 v30, v40;
	v37 =	vadd.f32 $2.000000030e-01, v37;
	v36 =	vmul.f32 v36, v45  }
0x132: {  	v35 =	vadd.f32 $2.000000030e-01, v35;
	v33 =	vmul.f32 v33, v42;
	v34 =	vadd.f32 $2.000000030e-01, v34  }
0x133: {  	v30 =	vadd.f32 $3.333333430e-01, v30;
	v37 =	vmul.f32 v37, v46;
	v36 =	vadd.f32 $3.333333430e-01, v36  }
0x134: {  	v32 =	vmul.f32 v32, v41;
	v31 =	vadd.f32 $3.333333430e-01, v31;
	v33 =	vadd.f32 $3.333333430e-01, v33  }
0x135: {  	v34 =	vmul.f32 v34, v43;
	v52 =	vadd.f32 $3.333333430e-01, v37;
	v28 =	vmul.f32 v36, v45  }
0x136: {  	v35 =	vmul.f32 v35, v44;
	v32 =	vadd.f32 $3.333333430e-01, v32;
	v16 =	vmul.f32 v31, v16  }
0x137: {  	v34 =	vadd.f32 $3.333333430e-01, v34;
	v29 =	vmul.f32 v52, v46;
	v28 =	vadd.f32 $1.000000000e+00, v28  }
0x138: {  	v23 =	vmul.f32 v30, v40;
	v53 =	vadd.f32 $3.333333430e-01, v35;
	v25 =	vmul.f32 v33, v42  }
0x139: {  	v26 =	vmul.f32 v34, v43;
	v54 =	vadd.f32 $1.000000000e+00, v29;
	v21 =	vmul.f32 v28, v21  }
0x13a: {  	v23 =	vadd.f32 $1.000000000e+00, v23;
	v16 =	vadd.f32 $1.000000000e+00, v16;
	v27 =	vmul.f32 v53, v44  }
0x13b: {  	v55 =	vadd.f32 $1.000000000e+00, v26;
	v20 =	vmul.f32 v54, v20;
	v13 =	vadd.f32 v21, v13  }
0x13c: {  	v24 =	vmul.f32 v32, v41;
	v25 =	vadd.f32 $1.000000000e+00, v25;
	v56 =	vadd.f32 $1.000000000e+00, v27  }
0x13d: {  	v17 =	vmul.f32 v55, v17;
	v12 =	vadd.f32 v20, v12;
	v13 =	vmin.f32 v13, $1.000000000e+02  }
0x13e: {  	v10 =	vmax.f32 v10, $0.0e+00;
	v57 =	vadd.f32 $1.000000000e+00, v24;
	v13 =	vsub.f32 $0.0e+00, v13  }
0x13f: {  	v58 =	vmul.f32 v56, v18;
	v10 =	vadd.f32 v17, v10;
	v12 =	vmin.f32 v12, $1.000000000e+02  }
0x140: {  	v9 =	vmax.f32 v9, $0.0e+00;
	v12 =	vsub.f32 $0.0e+00, v12;
	v11 =	vadd.f32 v13, v11  }
0x141: {  	v59 =	vmul.f32 v57, v15;
	v9 =	vadd.f32 v58, v9;
	v10 =	vmin.f32 v10, $1.000000000e+02  }
0x142: {  	v8 =	vmax.f32 v8, $0.0e+00;
	v10 =	vsub.f32 $0.0e+00, v10;
	v11 =	vadd.f32 v12, v11  }
0x143: {  	v60 =	vmul.f32 v25, v19;
	v8 =	vadd.f32 v59, v8;
	v9 =	vmin.f32 v9, $1.000000000e+02  }
0x144: {  	v7 =	vmax.f32 v7, $0.0e+00;
	v9 =	vsub.f32 $0.0e+00, v9;
	v10 =	vadd.f32 v10, v11  }
0x145: {  	v61 =	vmul.f32 v23, v14;
	v7 =	vadd.f32 v60, v7;
	v8 =	vmin.f32 v8, $1.000000000e+02  }
0x146: {  	v6 =	vmax.f32 v6, $0.0e+00;
	v8 =	vsub.f32 $0.0e+00, v8;
	v9 =	vadd.f32 v9, v10  }
0x147: {  	v62 =	vmul.f32 v16, v63;
	v6 =	vadd.f32 v61, v6;
	v7 =	vmin.f32 v7, $1.000000000e+02  }
0x148: {  	v5 =	vmax.f32 v5, $0.0e+00;
	v7 =	vsub.f32 $0.0e+00, v7;
	v8 =	vadd.f32 v8, v9  }
0x149: {  	v5 =	vadd.f32 v62, v5;
	v6 =	vmin.f32 v6, $1.000000000e+02  }
0x14a: {  	v6 =	vsub.f32 $0.0e+00, v6;
	v7 =	vadd.f32 v7, v8  }
0x14b: {  	v63 =	vld [tilespmem:$0x580];
	v5 =	vmin.f32 v5, $1.000000000e+02  }
0x14c: {  	v5 =	vsub.f32 $0.0e+00, v5;
	v6 =	vadd.f32 v6, v7;
	_ =	sdelay $0x1  }
0x14d: {  	v5 =	vadd.f32 v5, v6;
	_ =	sdelay $0x1  }
0x14e: {  	s19 =	sadd.s32 $0x1, s19;
	v5 =	vadd.f32 v63, v5  }
0x14f: {  	p1 =	sne.s32 s19, s8  }
.Ltmp3:
0x150: {  	[tilespmem:$0x580] =	vst v5;
	(pc) =	sbr.rel @p1 .LBB2_1-.Ltmp3, $4  }
0x151: {  	[hbm4b:s7+s3] =	stream.linear.scatter [tilespmem:s18], [sflag:$0x2], $0x10, $0x38;
	[tilespmem:$0x9C08] =	vst v63  }
0x152: {  	_ =	swait.ge [sflag:s10], $0x10  }
0x153: {  	[sflag:s10] =	ssyncset.done $0x0  }
0x154: {  	[sflag:s10] =	ssyncadd.s32 $0xFFFFFFF0  }
0x155: {  	_ =	sfence.sel $0x180000  }
0x156: {  	[bflag:$0x0] =	sbarrier.arrive $0xFFFF  }
0x157: {  	p0 =	sne.s32 s1, $0x0;
	_ =	strace $0x90000047  }
0x158: {  	s0 =	sadd.s32 @!p0 $0x100000, s0;
	[bflag:$0x2] =	sbarrier.arrive $0xFFFF  }
0x159: {  	[sflag:s0] =	ssyncadd.tile.s32 @!p0 $0x1;
	_ =	shalt  }
.Lfunc_end2:
_tile_overlayer_lowered:
.L_overlay_start_2:
0x15a: {  	(tag) =	ssettag $0x2  }
0x15b: {  	s0 =	rddreg [dreg:$0x0];
	s2 =	stileid.u32  }
0x15c: {  	s1 =	rddreg [dreg:$0x1];
	p0 =	sne.s32 s2, $0x0  }
0x15d: {  	s3 =	rddreg [dreg:$0x2];
	[bflag:$0x3] =	sbarrier.arrive $0xFFFF;
	s2 =	simm.s32 @!p0 $0x1C02  }
0x15e: {  	[timem:s3], [sflag:s2] =	dma.local @!p0 [hbm:s0], s1  }
0x15f: {  	s0 =	simm.s32 @!p0 $0x2  }
0x160: {  	_ =	swait.ge @!p0 [sflag:s0], s1  }
0x161: {  	s1 =	ssub.s32 @!p0 $0x0, s1;
	[sflag:s0] =	ssyncset.done @!p0 $0x0  }
0x162: {  	[sflag:s0] =	ssyncadd.s32 @!p0 s1  }
0x163: {  	[bflag:$0x3] =	sbarrier.arrive $0xFFFF  }
0x164: {  	_ =	shalt  }

</sc_bundles>
